<compile_context>
chip_gen: v7x
topology: tpu7x:2x2x1
jax: 0.10.2.dev20260603
libtpu: 0.0.44.dev20260713+nightly
codegen_flags: <defaults>
</compile_context>

<pallas_src>
import functools

import jax
import jax.numpy as jnp
from jax import lax
from jax.experimental import pallas as pl
from jax.experimental.pallas import tpu as pltpu
from jax.experimental.pallas import tpu_sc as plsc

N = 100000
NBX = 256
NBY = 256
BSX = 1.0 / NBX
BSY = 1.0 / NBY
STRETCH = 1.4142135
MINSX = BSX * STRETCH
MINSY = BSY * STRETCH
INV_CAP = 1.0 / 100.0

NW = 32
PER_W = 3136
NBATCH = PER_W // 16
LAST_START = N - PER_W
LAST_SKIP = (NW - 1) * PER_W - LAST_START
LAST_B0 = LAST_SKIP // 16

ROWS = 264
SROW = 264
HROWS = 384
ACCW = HROWS * SROW
ZEROW = ROWS * SROW


def _build_sc_scatter():
    mesh = plsc.VectorSubcoreMesh(core_axis_name="c", subcore_axis_name="s")

    @functools.partial(
        pl.kernel,
        mesh=mesh,
        compiler_params=pltpu.CompilerParams(needs_layout_passes=False),
        out_type=jax.ShapeDtypeStruct((NW, ACCW), jnp.float32),
        scratch_types=[
            pltpu.VMEM((5 * PER_W,), jnp.float32),
            pltpu.VMEM((ACCW,), jnp.float32),
            pltpu.VMEM((272,), jnp.float32),
            pltpu.SemaphoreType.DMA,
        ],
    )
    def sc_fn(xf, yf, wf, hf, wtf, outp, inbuf, acc, pbuf, sem):
        wid = lax.axis_index("s") * 2 + lax.axis_index("c")
        is_last = wid == NW - 1
        row0 = jnp.where(is_last, LAST_START, wid * PER_W)
        b0 = jnp.where(is_last, LAST_B0, 0)
        cps = [
            pltpu.async_copy(
                src.at[pl.ds(row0, PER_W)],
                inbuf.at[pl.ds(k * PER_W, PER_W)],
                sem,
            )
            for k, src in enumerate((xf, yf, wf, hf, wtf))
        ]

        zero16 = jnp.zeros((16,), jnp.float32)

        def zblock(r, carry):
            for k in range(16):
                acc[pl.ds(r * 256 + k * 16, 16)] = zero16
            return carry

        lax.fori_loop(0, ZEROW // 256, zblock, 0, unroll=False)
        for k in range(ZEROW // 256 * 16, ZEROW // 16):
            acc[pl.ds(k * 16, 16)] = zero16
        for cp in cps:
            cp.wait()

        iota = jnp.arange(16, dtype=jnp.int32)
        tidx = [iota * 17 + q for q in range(16)]

        def side(pos, half):
            u8 = pos * 256.0 - half + 8.0
            v8 = u8 + half + half
            iu = u8.astype(jnp.int32)
            fu = u8 - iu.astype(jnp.float32)
            iv = v8.astype(jnp.int32)
            fv = v8 - iv.astype(jnp.float32)
            j0 = iu - 4
            j1 = iv - 4
            c = (j1 - j0) == 1
            p = [j0, j0 + 1, jnp.where(c, j0 - 1, j1), j1 + 1]
            d = [
                1.0 - fu,
                jnp.where(c, fu - 1.0 + fv, fu),
                jnp.where(c, 0.0, fv - 1.0),
                -fv,
            ]
            return p, d

        gdims = lax.GatherDimensionNumbers(
            offset_dims=(), collapsed_slice_dims=(0,), start_index_map=(0,)
        )

        def dg(v, i):
            return lax.gather(
                v, i[:, None], gdims, (1,),
                mode=lax.GatherScatterMode.PROMISE_IN_BOUNDS,
            )

        aidx = iota >> 2
        bidx = iota & 3

        def batch(t, carry):
            o = t * 16
            x = inbuf[pl.ds(o, 16)]
            y = inbuf[pl.ds(PER_W + o, 16)]
            w = inbuf[pl.ds(2 * PER_W + o, 16)]
            h = inbuf[pl.ds(3 * PER_W + o, 16)]
            wt = inbuf[pl.ds(4 * PER_W + o, 16)]
            sx = jnp.maximum(w, MINSX)
            sy = jnp.maximum(h, MINSY)
            dens = wt * INV_CAP / (sx * sy)
            px, dx = side(x, sx * 128.0)
            py, dy = side(y, sy * 128.0)
            for a in range(4):
                plsc.store_scatter(
                    pbuf, [tidx[a]], plsc.bitcast(px[a] * SROW, jnp.float32))
                plsc.store_scatter(
                    pbuf, [tidx[4 + a]], plsc.bitcast(py[a], jnp.float32))
                plsc.store_scatter(pbuf, [tidx[8 + a]], dx[a] * dens)
                plsc.store_scatter(pbuf, [tidx[12 + a]], dy[a])

            @plsc.parallel_loop(0, 16, 1, unroll=16)
            def drain(j):
                v = pbuf[pl.ds(j * 17, 16)]
                xmv = plsc.bitcast(dg(v, aidx), jnp.int32)
                ypv = plsc.bitcast(dg(v, 4 + bidx), jnp.int32)
                val = dg(v, 8 + aidx) * dg(v, 12 + bidx)
                plsc.addupdate_scatter(acc, [xmv + ypv], val)

            return carry

        lax.fori_loop(b0, NBATCH, batch, 0, unroll=False)
        pltpu.sync_copy(acc, outp.at[wid])

    return sc_fn


def _tc_sum_body(parts_ref, out_ref):
    out_ref[...] = jnp.sum(parts_ref[...], axis=0)


_tc_sum = pl.pallas_call(
    _tc_sum_body,
    out_shape=jax.ShapeDtypeStruct((ACCW,), jnp.float32),
)


def _tc_reduce_body(s_ref, out_ref):
    s = s_ref[...]
    rmask = lax.broadcasted_iota(jnp.int32, (HROWS, SROW), 0) < ROWS
    s = jnp.where(rmask, s, 0.0)
    c_in = lax.broadcasted_iota(jnp.int32, (NBX, HROWS), 1)
    c_out = lax.broadcasted_iota(jnp.int32, (NBX, HROWS), 0)
    amat = (c_in <= c_out + 4).astype(jnp.float32)
    d_in = lax.broadcasted_iota(jnp.int32, (SROW, NBY), 0)
    d_out = lax.broadcasted_iota(jnp.int32, (SROW, NBY), 1)
    bmat = (d_in <= d_out + 4).astype(jnp.float32)
    t = jax.lax.dot(s, bmat, precision=jax.lax.Precision.HIGHEST)
    out_ref[...] = jax.lax.dot(amat, t, precision=jax.lax.Precision.HIGHEST)


_tc_reduce = pl.pallas_call(
    _tc_reduce_body,
    out_shape=jax.ShapeDtypeStruct((NBX, NBY), jnp.float32),
)


def kernel(inst_sizes, inst_pos, inst_pin_weights):
    x = inst_pos[:, 0]
    y = inst_pos[:, 1]
    w = inst_sizes[:, 0]
    h = inst_sizes[:, 1]
    parts = _build_sc_scatter()(x, y, w, h, inst_pin_weights)
    s = _tc_sum(parts).reshape(HROWS, SROW)
    return _tc_reduce(s)

# --- scband reference (transcript-rebuilt; emitter-appended) ---
"""Pipeline reference for scband-pin-utilization-16561393894025 (READ-ONLY COPY).

The authoritative reference and input builder live on the scoring server;
editing this copy changes nothing except your own understanding.
"""

import jax, jax.numpy as jnp
import numpy as np

N = 100000
NBX = 256
NBY = 256
XL, XH, YL, YH = 0.0, 1.0, 0.0, 1.0
BSX = (XH - XL) / NBX
BSY = (YH - YL) / NBY
PIN_STRETCH_RATIO = 1.4142135
UNIT_PIN_CAPACITY = 100.0


def setup_inputs(seed: int = 0) -> dict:
    key = jax.random.key(seed)
    k1, k2, k3 = jax.random.split(key, 3)
    # instance centers uniformly inside the layout region
    inst_pos = jax.random.uniform(k1, (N, 2), dtype=jnp.float32) * jnp.array([XH - XL, YH - YL], jnp.float32) + jnp.array([XL, YL], jnp.float32)
    # instance (width, height); small cells relative to the die, many get stretched to the min pin bin size
    inst_sizes = jax.random.uniform(k2, (N, 2), dtype=jnp.float32) * 0.02
    # per-instance pin weights (learned/derived parameter of the module)
    inst_pin_weights = jax.random.uniform(k3, (N,), dtype=jnp.float32) + 0.5
    return {"inst_sizes": inst_sizes, "inst_pos": inst_pos, "inst_pin_weights": inst_pin_weights}


def _pin_utilization(inst_sizes, inst_pos, inst_pin_weights):
    # stretch each instance so it is at least pin_stretch_ratio of a bin (matches clamp_ in forward)
    sx = jnp.maximum(inst_sizes[:, 0], BSX * PIN_STRETCH_RATIO)
    sy = jnp.maximum(inst_sizes[:, 1], BSY * PIN_STRETCH_RATIO)
    x_min = inst_pos[:, 0] - 0.5 * sx
    x_max = inst_pos[:, 0] + 0.5 * sx
    y_min = inst_pos[:, 1] - 0.5 * sy
    y_max = inst_pos[:, 1] + 0.5 * sy
    # pin demand density per unit area of the (stretched) instance
    density = inst_pin_weights / (sx * sy)
    # bin edges
    bin_xl = XL + jnp.arange(NBX, dtype=jnp.float32) * BSX
    bin_xh = bin_xl + BSX
    bin_yl = YL + jnp.arange(NBY, dtype=jnp.float32) * BSY
    bin_yh = bin_yl + BSY
    # separable 1D overlaps: [N, NBX] and [N, NBY]
    ox = jnp.clip(jnp.minimum(x_max[:, None], bin_xh[None, :]) - jnp.maximum(x_min[:, None], bin_xl[None, :]), 0.0, None)
    oy = jnp.clip(jnp.minimum(y_max[:, None], bin_yh[None, :]) - jnp.maximum(y_min[:, None], bin_yl[None, :]), 0.0, None)
    # pin_map[bx, by] = sum_i density_i * ox[i, bx] * oy[i, by]  (scatter-add of per-bin overlap demand)
    pin_map = (ox * density[:, None]).T @ oy
    # output.mul_(1 / (bin_size_x * bin_size_y * unit_pin_capacity))
    pin_map = pin_map * (1.0 / (BSX * BSY * UNIT_PIN_CAPACITY))
    return pin_map


def reference(inst_sizes, inst_pos, inst_pin_weights):
    return _pin_utilization(inst_sizes, inst_pos, inst_pin_weights)

if __name__ == "__main__":
    import jax
    _d = setup_inputs()
    print(jax.jit(kernel)(*tuple(_d.values())))

</pallas_src>

<mosaic_0001>
#map = affine_map<(d0, d1) -> (0)>
#map1 = affine_map<(d0, d1) -> (0, 0)>
module attributes {stable_mosaic.version = 14 : i64} {
  func.func @sc_fn(%arg0: i32, %arg1: i32, %arg2: memref<100000xf32, #tpu.memory_space<hbm>>, %arg3: memref<100000xf32, #tpu.memory_space<hbm>>, %arg4: memref<100000xf32, #tpu.memory_space<hbm>>, %arg5: memref<100000xf32, #tpu.memory_space<hbm>>, %arg6: memref<100000xf32, #tpu.memory_space<hbm>>, %arg7: memref<32x101376xf32, #tpu.memory_space<hbm>>, %arg8: memref<15680xf32, #tpu.memory_space<vmem>>, %arg9: memref<101376xf32, #tpu.memory_space<vmem>>, %arg10: memref<272xf32, #tpu.memory_space<vmem>>, %arg11: memref<!tpu.dma_semaphore, #tpu.memory_space<semaphore_mem>>) attributes {dimension_semantics = [#tpu.dimension_semantics<core_parallel>, #tpu.dimension_semantics<subcore_parallel>], iteration_bounds = array<i64: 2, 16>, scalar_prefetch = 0 : i64, scratch_operands = 4 : i64, tpu.core_type = #tpu.core_type<sc_vector_subcore>, window_params = [{transform_indices = #map}, {transform_indices = #map}, {transform_indices = #map}, {transform_indices = #map}, {transform_indices = #map}, {transform_indices = #map1}]} {
    %mul3A = arith.constant 2 : i32
    %mul3A_0 = arith.muli %arg1, %mul3A : i32
    %add3A = arith.addi %mul3A_0, %arg0 : i32
    %eq3A = arith.constant 31 : i32
    %eq3A_1 = arith.cmpi eq, %add3A, %eq3A : i32
    %mul3A_2 = arith.constant 3136 : i32
    %mul3A_3 = arith.muli %add3A, %mul3A_2 : i32
    %jit3A = arith.constant 96864 : i32
    %select_n3A = arith.select %eq3A_1, %jit3A, %mul3A_3 : i32
    %jit3A_4 = arith.constant 22 : i32
    %jit3A_5 = arith.constant 0 : i32
    %select_n3A_6 = arith.select %eq3A_1, %jit3A_4, %jit3A_5 : i32
    %dma_start3A = arith.constant 0 : i32
    %dma_start3A_7 = tpu.memref_slice %arg8[%dma_start3A] : memref<15680xf32, #tpu.memory_space<vmem>> -> memref<3136xf32, #tpu.memory_space<vmem>>
    %dma_start3A_8 = tpu.memref_slice %arg2[%select_n3A] : memref<100000xf32, #tpu.memory_space<hbm>> -> memref<3136xf32, #tpu.memory_space<hbm>>
    %dma_start3A_9 = arith.constant 0 : i32
    %dma_start3A_10 = tpu.memref_slice %arg8[%dma_start3A_9] : memref<15680xf32, #tpu.memory_space<vmem>> -> memref<3136xf32, #tpu.memory_space<vmem>>
    %dma_start3A_11 = tpu.memref_slice %arg2[%select_n3A] : memref<100000xf32, #tpu.memory_space<hbm>> -> memref<3136xf32, #tpu.memory_space<hbm>>
    tpu.enqueue_dma source(%dma_start3A_11 : memref<3136xf32, #tpu.memory_space<hbm>>) target(%dma_start3A_10 : memref<3136xf32, #tpu.memory_space<vmem>>) target_semaphore(%arg11 : memref<!tpu.dma_semaphore, #tpu.memory_space<semaphore_mem>>)
    %dma_start3A_12 = arith.constant 3136 : i32
    %dma_start3A_13 = tpu.memref_slice %arg8[%dma_start3A_12] : memref<15680xf32, #tpu.memory_space<vmem>> -> memref<3136xf32, #tpu.memory_space<vmem>>
    %dma_start3A_14 = tpu.memref_slice %arg3[%select_n3A] : memref<100000xf32, #tpu.memory_space<hbm>> -> memref<3136xf32, #tpu.memory_space<hbm>>
    %dma_start3A_15 = arith.constant 3136 : i32
    %dma_start3A_16 = tpu.memref_slice %arg8[%dma_start3A_15] : memref<15680xf32, #tpu.memory_space<vmem>> -> memref<3136xf32, #tpu.memory_space<vmem>>
    %dma_start3A_17 = tpu.memref_slice %arg3[%select_n3A] : memref<100000xf32, #tpu.memory_space<hbm>> -> memref<3136xf32, #tpu.memory_space<hbm>>
    tpu.enqueue_dma source(%dma_start3A_17 : memref<3136xf32, #tpu.memory_space<hbm>>) target(%dma_start3A_16 : memref<3136xf32, #tpu.memory_space<vmem>>) target_semaphore(%arg11 : memref<!tpu.dma_semaphore, #tpu.memory_space<semaphore_mem>>)
    %dma_start3A_18 = arith.constant 6272 : i32
    %dma_start3A_19 = tpu.memref_slice %arg8[%dma_start3A_18] : memref<15680xf32, #tpu.memory_space<vmem>> -> memref<3136xf32, #tpu.memory_space<vmem>>
    %dma_start3A_20 = tpu.memref_slice %arg4[%select_n3A] : memref<100000xf32, #tpu.memory_space<hbm>> -> memref<3136xf32, #tpu.memory_space<hbm>>
    %dma_start3A_21 = arith.constant 6272 : i32
    %dma_start3A_22 = tpu.memref_slice %arg8[%dma_start3A_21] : memref<15680xf32, #tpu.memory_space<vmem>> -> memref<3136xf32, #tpu.memory_space<vmem>>
    %dma_start3A_23 = tpu.memref_slice %arg4[%select_n3A] : memref<100000xf32, #tpu.memory_space<hbm>> -> memref<3136xf32, #tpu.memory_space<hbm>>
    tpu.enqueue_dma source(%dma_start3A_23 : memref<3136xf32, #tpu.memory_space<hbm>>) target(%dma_start3A_22 : memref<3136xf32, #tpu.memory_space<vmem>>) target_semaphore(%arg11 : memref<!tpu.dma_semaphore, #tpu.memory_space<semaphore_mem>>)
    %dma_start3A_24 = arith.constant 9408 : i32
    %dma_start3A_25 = tpu.memref_slice %arg8[%dma_start3A_24] : memref<15680xf32, #tpu.memory_space<vmem>> -> memref<3136xf32, #tpu.memory_space<vmem>>
    %dma_start3A_26 = tpu.memref_slice %arg5[%select_n3A] : memref<100000xf32, #tpu.memory_space<hbm>> -> memref<3136xf32, #tpu.memory_space<hbm>>
    %dma_start3A_27 = arith.constant 9408 : i32
    %dma_start3A_28 = tpu.memref_slice %arg8[%dma_start3A_27] : memref<15680xf32, #tpu.memory_space<vmem>> -> memref<3136xf32, #tpu.memory_space<vmem>>
    %dma_start3A_29 = tpu.memref_slice %arg5[%select_n3A] : memref<100000xf32, #tpu.memory_space<hbm>> -> memref<3136xf32, #tpu.memory_space<hbm>>
    tpu.enqueue_dma source(%dma_start3A_29 : memref<3136xf32, #tpu.memory_space<hbm>>) target(%dma_start3A_28 : memref<3136xf32, #tpu.memory_space<vmem>>) target_semaphore(%arg11 : memref<!tpu.dma_semaphore, #tpu.memory_space<semaphore_mem>>)
    %dma_start3A_30 = arith.constant 12544 : i32
    %dma_start3A_31 = tpu.memref_slice %arg8[%dma_start3A_30] : memref<15680xf32, #tpu.memory_space<vmem>> -> memref<3136xf32, #tpu.memory_space<vmem>>
    %dma_start3A_32 = tpu.memref_slice %arg6[%select_n3A] : memref<100000xf32, #tpu.memory_space<hbm>> -> memref<3136xf32, #tpu.memory_space<hbm>>
    %dma_start3A_33 = arith.constant 12544 : i32
    %dma_start3A_34 = tpu.memref_slice %arg8[%dma_start3A_33] : memref<15680xf32, #tpu.memory_space<vmem>> -> memref<3136xf32, #tpu.memory_space<vmem>>
    %dma_start3A_35 = tpu.memref_slice %arg6[%select_n3A] : memref<100000xf32, #tpu.memory_space<hbm>> -> memref<3136xf32, #tpu.memory_space<hbm>>
    tpu.enqueue_dma source(%dma_start3A_35 : memref<3136xf32, #tpu.memory_space<hbm>>) target(%dma_start3A_34 : memref<3136xf32, #tpu.memory_space<vmem>>) target_semaphore(%arg11 : memref<!tpu.dma_semaphore, #tpu.memory_space<semaphore_mem>>)
    %broadcast_in_dim3A = arith.constant 0.000000e+00 : f32
    %broadcast_in_dim3A_36 = vector.broadcast %broadcast_in_dim3A : f32 to vector<16xf32>
    %scan3A = arith.constant 0 : i32
    %scan3A_37 = arith.constant 0 : i32
    %scan3A_38 = arith.constant 272 : i32
    %scan3A_39 = arith.addi %scan3A_37, %scan3A_38 : i32
    %scan3A_40 = arith.constant 1 : i32
    scf.for %scan3A_187 = %scan3A_37 to %scan3A_39 step %scan3A_40  : i32 {
      %mul3A_188 = arith.constant 256 : i32
      %mul3A_189 = arith.muli %scan3A_187, %mul3A_188 : i32
      %add3A_190 = arith.constant 0 : i32
      %add3A_191 = arith.addi %mul3A_189, %add3A_190 : i32
      %swap3A_192 = arith.index_cast %add3A_191 : i32 to index
      %swap3A_193 = tpu.vector_load %arg9[%swap3A_192] {strides = array<i32>} : memref<101376xf32, #tpu.memory_space<vmem>>, vector<16xf32>,
      tpu.vector_store %arg9[%swap3A_192], %broadcast_in_dim3A_36 {strides = array<i32>} : memref<101376xf32, #tpu.memory_space<vmem>>, vector<16xf32>,
      %mul3A_194 = arith.constant 256 : i32
      %mul3A_195 = arith.muli %scan3A_187, %mul3A_194 : i32
      %add3A_196 = arith.constant 16 : i32
      %add3A_197 = arith.addi %mul3A_195, %add3A_196 : i32
      %swap3A_198 = arith.index_cast %add3A_197 : i32 to index
      %swap3A_199 = tpu.vector_load %arg9[%swap3A_198] {strides = array<i32>} : memref<101376xf32, #tpu.memory_space<vmem>>, vector<16xf32>,
      tpu.vector_store %arg9[%swap3A_198], %broadcast_in_dim3A_36 {strides = array<i32>} : memref<101376xf32, #tpu.memory_space<vmem>>, vector<16xf32>,
      %mul3A_200 = arith.constant 256 : i32
      %mul3A_201 = arith.muli %scan3A_187, %mul3A_200 : i32
      %add3A_202 = arith.constant 32 : i32
      %add3A_203 = arith.addi %mul3A_201, %add3A_202 : i32
      %swap3A_204 = arith.index_cast %add3A_203 : i32 to index
      %swap3A_205 = tpu.vector_load %arg9[%swap3A_204] {strides = array<i32>} : memref<101376xf32, #tpu.memory_space<vmem>>, vector<16xf32>,
      tpu.vector_store %arg9[%swap3A_204], %broadcast_in_dim3A_36 {strides = array<i32>} : memref<101376xf32, #tpu.memory_space<vmem>>, vector<16xf32>,
      %mul3A_206 = arith.constant 256 : i32
      %mul3A_207 = arith.muli %scan3A_187, %mul3A_206 : i32
      %add3A_208 = arith.constant 48 : i32
      %add3A_209 = arith.addi %mul3A_207, %add3A_208 : i32
      %swap3A_210 = arith.index_cast %add3A_209 : i32 to index
      %swap3A_211 = tpu.vector_load %arg9[%swap3A_210] {strides = array<i32>} : memref<101376xf32, #tpu.memory_space<vmem>>, vector<16xf32>,
      tpu.vector_store %arg9[%swap3A_210], %broadcast_in_dim3A_36 {strides = array<i32>} : memref<101376xf32, #tpu.memory_space<vmem>>, vector<16xf32>,
      %mul3A_212 = arith.constant 256 : i32
      %mul3A_213 = arith.muli %scan3A_187, %mul3A_212 : i32
      %add3A_214 = arith.constant 64 : i32
      %add3A_215 = arith.addi %mul3A_213, %add3A_214 : i32
      %swap3A_216 = arith.index_cast %add3A_215 : i32 to index
      %swap3A_217 = tpu.vector_load %arg9[%swap3A_216] {strides = array<i32>} : memref<101376xf32, #tpu.memory_space<vmem>>, vector<16xf32>,
      tpu.vector_store %arg9[%swap3A_216], %broadcast_in_dim3A_36 {strides = array<i32>} : memref<101376xf32, #tpu.memory_space<vmem>>, vector<16xf32>,
      %mul3A_218 = arith.constant 256 : i32
      %mul3A_219 = arith.muli %scan3A_187, %mul3A_218 : i32
      %add3A_220 = arith.constant 80 : i32
      %add3A_221 = arith.addi %mul3A_219, %add3A_220 : i32
      %swap3A_222 = arith.index_cast %add3A_221 : i32 to index
      %swap3A_223 = tpu.vector_load %arg9[%swap3A_222] {strides = array<i32>} : memref<101376xf32, #tpu.memory_space<vmem>>, vector<16xf32>,
      tpu.vector_store %arg9[%swap3A_222], %broadcast_in_dim3A_36 {strides = array<i32>} : memref<101376xf32, #tpu.memory_space<vmem>>, vector<16xf32>,
      %mul3A_224 = arith.constant 256 : i32
      %mul3A_225 = arith.muli %scan3A_187, %mul3A_224 : i32
      %add3A_226 = arith.constant 96 : i32
      %add3A_227 = arith.addi %mul3A_225, %add3A_226 : i32
      %swap3A_228 = arith.index_cast %add3A_227 : i32 to index
      %swap3A_229 = tpu.vector_load %arg9[%swap3A_228] {strides = array<i32>} : memref<101376xf32, #tpu.memory_space<vmem>>, vector<16xf32>,
      tpu.vector_store %arg9[%swap3A_228], %broadcast_in_dim3A_36 {strides = array<i32>} : memref<101376xf32, #tpu.memory_space<vmem>>, vector<16xf32>,
      %mul3A_230 = arith.constant 256 : i32
      %mul3A_231 = arith.muli %scan3A_187, %mul3A_230 : i32
      %add3A_232 = arith.constant 112 : i32
      %add3A_233 = arith.addi %mul3A_231, %add3A_232 : i32
      %swap3A_234 = arith.index_cast %add3A_233 : i32 to index
      %swap3A_235 = tpu.vector_load %arg9[%swap3A_234] {strides = array<i32>} : memref<101376xf32, #tpu.memory_space<vmem>>, vector<16xf32>,
      tpu.vector_store %arg9[%swap3A_234], %broadcast_in_dim3A_36 {strides = array<i32>} : memref<101376xf32, #tpu.memory_space<vmem>>, vector<16xf32>,
      %mul3A_236 = arith.constant 256 : i32
      %mul3A_237 = arith.muli %scan3A_187, %mul3A_236 : i32
      %add3A_238 = arith.constant 128 : i32
      %add3A_239 = arith.addi %mul3A_237, %add3A_238 : i32
      %swap3A_240 = arith.index_cast %add3A_239 : i32 to index
      %swap3A_241 = tpu.vector_load %arg9[%swap3A_240] {strides = array<i32>} : memref<101376xf32, #tpu.memory_space<vmem>>, vector<16xf32>,
      tpu.vector_store %arg9[%swap3A_240], %broadcast_in_dim3A_36 {strides = array<i32>} : memref<101376xf32, #tpu.memory_space<vmem>>, vector<16xf32>,
      %mul3A_242 = arith.constant 256 : i32
      %mul3A_243 = arith.muli %scan3A_187, %mul3A_242 : i32
      %add3A_244 = arith.constant 144 : i32
      %add3A_245 = arith.addi %mul3A_243, %add3A_244 : i32
      %swap3A_246 = arith.index_cast %add3A_245 : i32 to index
      %swap3A_247 = tpu.vector_load %arg9[%swap3A_246] {strides = array<i32>} : memref<101376xf32, #tpu.memory_space<vmem>>, vector<16xf32>,
      tpu.vector_store %arg9[%swap3A_246], %broadcast_in_dim3A_36 {strides = array<i32>} : memref<101376xf32, #tpu.memory_space<vmem>>, vector<16xf32>,
      %mul3A_248 = arith.constant 256 : i32
      %mul3A_249 = arith.muli %scan3A_187, %mul3A_248 : i32
      %add3A_250 = arith.constant 160 : i32
      %add3A_251 = arith.addi %mul3A_249, %add3A_250 : i32
      %swap3A_252 = arith.index_cast %add3A_251 : i32 to index
      %swap3A_253 = tpu.vector_load %arg9[%swap3A_252] {strides = array<i32>} : memref<101376xf32, #tpu.memory_space<vmem>>, vector<16xf32>,
      tpu.vector_store %arg9[%swap3A_252], %broadcast_in_dim3A_36 {strides = array<i32>} : memref<101376xf32, #tpu.memory_space<vmem>>, vector<16xf32>,
      %mul3A_254 = arith.constant 256 : i32
      %mul3A_255 = arith.muli %scan3A_187, %mul3A_254 : i32
      %add3A_256 = arith.constant 176 : i32
      %add3A_257 = arith.addi %mul3A_255, %add3A_256 : i32
      %swap3A_258 = arith.index_cast %add3A_257 : i32 to index
      %swap3A_259 = tpu.vector_load %arg9[%swap3A_258] {strides = array<i32>} : memref<101376xf32, #tpu.memory_space<vmem>>, vector<16xf32>,
      tpu.vector_store %arg9[%swap3A_258], %broadcast_in_dim3A_36 {strides = array<i32>} : memref<101376xf32, #tpu.memory_space<vmem>>, vector<16xf32>,
      %mul3A_260 = arith.constant 256 : i32
      %mul3A_261 = arith.muli %scan3A_187, %mul3A_260 : i32
      %add3A_262 = arith.constant 192 : i32
      %add3A_263 = arith.addi %mul3A_261, %add3A_262 : i32
      %swap3A_264 = arith.index_cast %add3A_263 : i32 to index
      %swap3A_265 = tpu.vector_load %arg9[%swap3A_264] {strides = array<i32>} : memref<101376xf32, #tpu.memory_space<vmem>>, vector<16xf32>,
      tpu.vector_store %arg9[%swap3A_264], %broadcast_in_dim3A_36 {strides = array<i32>} : memref<101376xf32, #tpu.memory_space<vmem>>, vector<16xf32>,
      %mul3A_266 = arith.constant 256 : i32
      %mul3A_267 = arith.muli %scan3A_187, %mul3A_266 : i32
      %add3A_268 = arith.constant 208 : i32
      %add3A_269 = arith.addi %mul3A_267, %add3A_268 : i32
      %swap3A_270 = arith.index_cast %add3A_269 : i32 to index
      %swap3A_271 = tpu.vector_load %arg9[%swap3A_270] {strides = array<i32>} : memref<101376xf32, #tpu.memory_space<vmem>>, vector<16xf32>,
      tpu.vector_store %arg9[%swap3A_270], %broadcast_in_dim3A_36 {strides = array<i32>} : memref<101376xf32, #tpu.memory_space<vmem>>, vector<16xf32>,
      %mul3A_272 = arith.constant 256 : i32
      %mul3A_273 = arith.muli %scan3A_187, %mul3A_272 : i32
      %add3A_274 = arith.constant 224 : i32
      %add3A_275 = arith.addi %mul3A_273, %add3A_274 : i32
      %swap3A_276 = arith.index_cast %add3A_275 : i32 to index
      %swap3A_277 = tpu.vector_load %arg9[%swap3A_276] {strides = array<i32>} : memref<101376xf32, #tpu.memory_space<vmem>>, vector<16xf32>,
      tpu.vector_store %arg9[%swap3A_276], %broadcast_in_dim3A_36 {strides = array<i32>} : memref<101376xf32, #tpu.memory_space<vmem>>, vector<16xf32>,
      %mul3A_278 = arith.constant 256 : i32
      %mul3A_279 = arith.muli %scan3A_187, %mul3A_278 : i32
      %add3A_280 = arith.constant 240 : i32
      %add3A_281 = arith.addi %mul3A_279, %add3A_280 : i32
      %swap3A_282 = arith.index_cast %add3A_281 : i32 to index
      %swap3A_283 = tpu.vector_load %arg9[%swap3A_282] {strides = array<i32>} : memref<101376xf32, #tpu.memory_space<vmem>>, vector<16xf32>,
      tpu.vector_store %arg9[%swap3A_282], %broadcast_in_dim3A_36 {strides = array<i32>} : memref<101376xf32, #tpu.memory_space<vmem>>, vector<16xf32>,
    }
    %scan3A_41 = arith.constant 272 : i32
    %swap3A = arith.constant 69632 : index
    %swap3A_42 = tpu.vector_load %arg9[%swap3A] {strides = array<i32>} : memref<101376xf32, #tpu.memory_space<vmem>>, vector<16xf32>,
    tpu.vector_store %arg9[%swap3A], %broadcast_in_dim3A_36 {strides = array<i32>} : memref<101376xf32, #tpu.memory_space<vmem>>, vector<16xf32>,
    %swap3A_43 = arith.constant 69648 : index
    %swap3A_44 = tpu.vector_load %arg9[%swap3A_43] {strides = array<i32>} : memref<101376xf32, #tpu.memory_space<vmem>>, vector<16xf32>,
    tpu.vector_store %arg9[%swap3A_43], %broadcast_in_dim3A_36 {strides = array<i32>} : memref<101376xf32, #tpu.memory_space<vmem>>, vector<16xf32>,
    %swap3A_45 = arith.constant 69664 : index
    %swap3A_46 = tpu.vector_load %arg9[%swap3A_45] {strides = array<i32>} : memref<101376xf32, #tpu.memory_space<vmem>>, vector<16xf32>,
    tpu.vector_store %arg9[%swap3A_45], %broadcast_in_dim3A_36 {strides = array<i32>} : memref<101376xf32, #tpu.memory_space<vmem>>, vector<16xf32>,
    %swap3A_47 = arith.constant 69680 : index
    %swap3A_48 = tpu.vector_load %arg9[%swap3A_47] {strides = array<i32>} : memref<101376xf32, #tpu.memory_space<vmem>>, vector<16xf32>,
    tpu.vector_store %arg9[%swap3A_47], %broadcast_in_dim3A_36 {strides = array<i32>} : memref<101376xf32, #tpu.memory_space<vmem>>, vector<16xf32>,
    %dma_wait3A = arith.constant 0 : i32
    %dma_wait3A_49 = tpu.memref_slice %arg8[%dma_wait3A] : memref<15680xf32, #tpu.memory_space<vmem>> -> memref<3136xf32, #tpu.memory_space<vmem>>
    %dma_wait3A_50 = tpu.memref_slice %arg2[%select_n3A] : memref<100000xf32, #tpu.memory_space<hbm>> -> memref<3136xf32, #tpu.memory_space<hbm>>
    %dma_wait3A_51 = arith.constant 0 : i32
    %dma_wait3A_52 = tpu.memref_slice %arg8[%dma_wait3A_51] : memref<15680xf32, #tpu.memory_space<vmem>> -> memref<3136xf32, #tpu.memory_space<vmem>>
    %dma_wait3A_53 = tpu.memref_slice %arg2[%select_n3A] : memref<100000xf32, #tpu.memory_space<hbm>> -> memref<3136xf32, #tpu.memory_space<hbm>>
    tpu.wait_dma2 semaphore(%arg11 : memref<!tpu.dma_semaphore, #tpu.memory_space<semaphore_mem>>) src(%dma_wait3A_53 : memref<3136xf32, #tpu.memory_space<hbm>>) dst(%dma_wait3A_52 : memref<3136xf32, #tpu.memory_space<vmem>>)
    %dma_wait3A_54 = arith.constant 3136 : i32
    %dma_wait3A_55 = tpu.memref_slice %arg8[%dma_wait3A_54] : memref<15680xf32, #tpu.memory_space<vmem>> -> memref<3136xf32, #tpu.memory_space<vmem>>
    %dma_wait3A_56 = tpu.memref_slice %arg3[%select_n3A] : memref<100000xf32, #tpu.memory_space<hbm>> -> memref<3136xf32, #tpu.memory_space<hbm>>
    %dma_wait3A_57 = arith.constant 3136 : i32
    %dma_wait3A_58 = tpu.memref_slice %arg8[%dma_wait3A_57] : memref<15680xf32, #tpu.memory_space<vmem>> -> memref<3136xf32, #tpu.memory_space<vmem>>
    %dma_wait3A_59 = tpu.memref_slice %arg3[%select_n3A] : memref<100000xf32, #tpu.memory_space<hbm>> -> memref<3136xf32, #tpu.memory_space<hbm>>
    tpu.wait_dma2 semaphore(%arg11 : memref<!tpu.dma_semaphore, #tpu.memory_space<semaphore_mem>>) src(%dma_wait3A_59 : memref<3136xf32, #tpu.memory_space<hbm>>) dst(%dma_wait3A_58 : memref<3136xf32, #tpu.memory_space<vmem>>)
    %dma_wait3A_60 = arith.constant 6272 : i32
    %dma_wait3A_61 = tpu.memref_slice %arg8[%dma_wait3A_60] : memref<15680xf32, #tpu.memory_space<vmem>> -> memref<3136xf32, #tpu.memory_space<vmem>>
    %dma_wait3A_62 = tpu.memref_slice %arg4[%select_n3A] : memref<100000xf32, #tpu.memory_space<hbm>> -> memref<3136xf32, #tpu.memory_space<hbm>>
    %dma_wait3A_63 = arith.constant 6272 : i32
    %dma_wait3A_64 = tpu.memref_slice %arg8[%dma_wait3A_63] : memref<15680xf32, #tpu.memory_space<vmem>> -> memref<3136xf32, #tpu.memory_space<vmem>>
    %dma_wait3A_65 = tpu.memref_slice %arg4[%select_n3A] : memref<100000xf32, #tpu.memory_space<hbm>> -> memref<3136xf32, #tpu.memory_space<hbm>>
    tpu.wait_dma2 semaphore(%arg11 : memref<!tpu.dma_semaphore, #tpu.memory_space<semaphore_mem>>) src(%dma_wait3A_65 : memref<3136xf32, #tpu.memory_space<hbm>>) dst(%dma_wait3A_64 : memref<3136xf32, #tpu.memory_space<vmem>>)
    %dma_wait3A_66 = arith.constant 9408 : i32
    %dma_wait3A_67 = tpu.memref_slice %arg8[%dma_wait3A_66] : memref<15680xf32, #tpu.memory_space<vmem>> -> memref<3136xf32, #tpu.memory_space<vmem>>
    %dma_wait3A_68 = tpu.memref_slice %arg5[%select_n3A] : memref<100000xf32, #tpu.memory_space<hbm>> -> memref<3136xf32, #tpu.memory_space<hbm>>
    %dma_wait3A_69 = arith.constant 9408 : i32
    %dma_wait3A_70 = tpu.memref_slice %arg8[%dma_wait3A_69] : memref<15680xf32, #tpu.memory_space<vmem>> -> memref<3136xf32, #tpu.memory_space<vmem>>
    %dma_wait3A_71 = tpu.memref_slice %arg5[%select_n3A] : memref<100000xf32, #tpu.memory_space<hbm>> -> memref<3136xf32, #tpu.memory_space<hbm>>
    tpu.wait_dma2 semaphore(%arg11 : memref<!tpu.dma_semaphore, #tpu.memory_space<semaphore_mem>>) src(%dma_wait3A_71 : memref<3136xf32, #tpu.memory_space<hbm>>) dst(%dma_wait3A_70 : memref<3136xf32, #tpu.memory_space<vmem>>)
    %dma_wait3A_72 = arith.constant 12544 : i32
    %dma_wait3A_73 = tpu.memref_slice %arg8[%dma_wait3A_72] : memref<15680xf32, #tpu.memory_space<vmem>> -> memref<3136xf32, #tpu.memory_space<vmem>>
    %dma_wait3A_74 = tpu.memref_slice %arg6[%select_n3A] : memref<100000xf32, #tpu.memory_space<hbm>> -> memref<3136xf32, #tpu.memory_space<hbm>>
    %dma_wait3A_75 = arith.constant 12544 : i32
    %dma_wait3A_76 = tpu.memref_slice %arg8[%dma_wait3A_75] : memref<15680xf32, #tpu.memory_space<vmem>> -> memref<3136xf32, #tpu.memory_space<vmem>>
    %dma_wait3A_77 = tpu.memref_slice %arg6[%select_n3A] : memref<100000xf32, #tpu.memory_space<hbm>> -> memref<3136xf32, #tpu.memory_space<hbm>>
    tpu.wait_dma2 semaphore(%arg11 : memref<!tpu.dma_semaphore, #tpu.memory_space<semaphore_mem>>) src(%dma_wait3A_77 : memref<3136xf32, #tpu.memory_space<hbm>>) dst(%dma_wait3A_76 : memref<3136xf32, #tpu.memory_space<vmem>>)
    %iota3A = tpu.iota {dimensions = array<i32: 0>} : vector<16xi32>
    %mul3A_78 = arith.constant 17 : i32
    %mul3A_79 = vector.broadcast %mul3A_78 : i32 to vector<16xi32>
    %mul3A_80 = arith.muli %iota3A, %mul3A_79 : vector<16xi32>
    %add3A_81 = arith.constant 0 : i32
    %add3A_82 = vector.broadcast %add3A_81 : i32 to vector<16xi32>
    %add3A_83 = arith.addi %mul3A_80, %add3A_82 : vector<16xi32>
    %mul3A_84 = arith.constant 17 : i32
    %mul3A_85 = vector.broadcast %mul3A_84 : i32 to vector<16xi32>
    %mul3A_86 = arith.muli %iota3A, %mul3A_85 : vector<16xi32>
    %add3A_87 = arith.constant 1 : i32
    %add3A_88 = vector.broadcast %add3A_87 : i32 to vector<16xi32>
    %add3A_89 = arith.addi %mul3A_86, %add3A_88 : vector<16xi32>
    %mul3A_90 = arith.constant 17 : i32
    %mul3A_91 = vector.broadcast %mul3A_90 : i32 to vector<16xi32>
    %mul3A_92 = arith.muli %iota3A, %mul3A_91 : vector<16xi32>
    %add3A_93 = arith.constant 2 : i32
    %add3A_94 = vector.broadcast %add3A_93 : i32 to vector<16xi32>
    %add3A_95 = arith.addi %mul3A_92, %add3A_94 : vector<16xi32>
    %mul3A_96 = arith.constant 17 : i32
    %mul3A_97 = vector.broadcast %mul3A_96 : i32 to vector<16xi32>
    %mul3A_98 = arith.muli %iota3A, %mul3A_97 : vector<16xi32>
    %add3A_99 = arith.constant 3 : i32
    %add3A_100 = vector.broadcast %add3A_99 : i32 to vector<16xi32>
    %add3A_101 = arith.addi %mul3A_98, %add3A_100 : vector<16xi32>
    %mul3A_102 = arith.constant 17 : i32
    %mul3A_103 = vector.broadcast %mul3A_102 : i32 to vector<16xi32>
    %mul3A_104 = arith.muli %iota3A, %mul3A_103 : vector<16xi32>
    %add3A_105 = arith.constant 4 : i32
    %add3A_106 = vector.broadcast %add3A_105 : i32 to vector<16xi32>
    %add3A_107 = arith.addi %mul3A_104, %add3A_106 : vector<16xi32>
    %mul3A_108 = arith.constant 17 : i32
    %mul3A_109 = vector.broadcast %mul3A_108 : i32 to vector<16xi32>
    %mul3A_110 = arith.muli %iota3A, %mul3A_109 : vector<16xi32>
    %add3A_111 = arith.constant 5 : i32
    %add3A_112 = vector.broadcast %add3A_111 : i32 to vector<16xi32>
    %add3A_113 = arith.addi %mul3A_110, %add3A_112 : vector<16xi32>
    %mul3A_114 = arith.constant 17 : i32
    %mul3A_115 = vector.broadcast %mul3A_114 : i32 to vector<16xi32>
    %mul3A_116 = arith.muli %iota3A, %mul3A_115 : vector<16xi32>
    %add3A_117 = arith.constant 6 : i32
    %add3A_118 = vector.broadcast %add3A_117 : i32 to vector<16xi32>
    %add3A_119 = arith.addi %mul3A_116, %add3A_118 : vector<16xi32>
    %mul3A_120 = arith.constant 17 : i32
    %mul3A_121 = vector.broadcast %mul3A_120 : i32 to vector<16xi32>
    %mul3A_122 = arith.muli %iota3A, %mul3A_121 : vector<16xi32>
    %add3A_123 = arith.constant 7 : i32
    %add3A_124 = vector.broadcast %add3A_123 : i32 to vector<16xi32>
    %add3A_125 = arith.addi %mul3A_122, %add3A_124 : vector<16xi32>
    %mul3A_126 = arith.constant 17 : i32
    %mul3A_127 = vector.broadcast %mul3A_126 : i32 to vector<16xi32>
    %mul3A_128 = arith.muli %iota3A, %mul3A_127 : vector<16xi32>
    %add3A_129 = arith.constant 8 : i32
    %add3A_130 = vector.broadcast %add3A_129 : i32 to vector<16xi32>
    %add3A_131 = arith.addi %mul3A_128, %add3A_130 : vector<16xi32>
    %mul3A_132 = arith.constant 17 : i32
    %mul3A_133 = vector.broadcast %mul3A_132 : i32 to vector<16xi32>
    %mul3A_134 = arith.muli %iota3A, %mul3A_133 : vector<16xi32>
    %add3A_135 = arith.constant 9 : i32
    %add3A_136 = vector.broadcast %add3A_135 : i32 to vector<16xi32>
    %add3A_137 = arith.addi %mul3A_134, %add3A_136 : vector<16xi32>
    %mul3A_138 = arith.constant 17 : i32
    %mul3A_139 = vector.broadcast %mul3A_138 : i32 to vector<16xi32>
    %mul3A_140 = arith.muli %iota3A, %mul3A_139 : vector<16xi32>
    %add3A_141 = arith.constant 10 : i32
    %add3A_142 = vector.broadcast %add3A_141 : i32 to vector<16xi32>
    %add3A_143 = arith.addi %mul3A_140, %add3A_142 : vector<16xi32>
    %mul3A_144 = arith.constant 17 : i32
    %mul3A_145 = vector.broadcast %mul3A_144 : i32 to vector<16xi32>
    %mul3A_146 = arith.muli %iota3A, %mul3A_145 : vector<16xi32>
    %add3A_147 = arith.constant 11 : i32
    %add3A_148 = vector.broadcast %add3A_147 : i32 to vector<16xi32>
    %add3A_149 = arith.addi %mul3A_146, %add3A_148 : vector<16xi32>
    %mul3A_150 = arith.constant 17 : i32
    %mul3A_151 = vector.broadcast %mul3A_150 : i32 to vector<16xi32>
    %mul3A_152 = arith.muli %iota3A, %mul3A_151 : vector<16xi32>
    %add3A_153 = arith.constant 12 : i32
    %add3A_154 = vector.broadcast %add3A_153 : i32 to vector<16xi32>
    %add3A_155 = arith.addi %mul3A_152, %add3A_154 : vector<16xi32>
    %mul3A_156 = arith.constant 17 : i32
    %mul3A_157 = vector.broadcast %mul3A_156 : i32 to vector<16xi32>
    %mul3A_158 = arith.muli %iota3A, %mul3A_157 : vector<16xi32>
    %add3A_159 = arith.constant 13 : i32
    %add3A_160 = vector.broadcast %add3A_159 : i32 to vector<16xi32>
    %add3A_161 = arith.addi %mul3A_158, %add3A_160 : vector<16xi32>
    %mul3A_162 = arith.constant 17 : i32
    %mul3A_163 = vector.broadcast %mul3A_162 : i32 to vector<16xi32>
    %mul3A_164 = arith.muli %iota3A, %mul3A_163 : vector<16xi32>
    %add3A_165 = arith.constant 14 : i32
    %add3A_166 = vector.broadcast %add3A_165 : i32 to vector<16xi32>
    %add3A_167 = arith.addi %mul3A_164, %add3A_166 : vector<16xi32>
    %mul3A_168 = arith.constant 17 : i32
    %mul3A_169 = vector.broadcast %mul3A_168 : i32 to vector<16xi32>
    %mul3A_170 = arith.muli %iota3A, %mul3A_169 : vector<16xi32>
    %add3A_171 = arith.constant 15 : i32
    %add3A_172 = vector.broadcast %add3A_171 : i32 to vector<16xi32>
    %add3A_173 = arith.addi %mul3A_170, %add3A_172 : vector<16xi32>
    %shift_right_arithmetic3A = arith.constant 2 : i32
    %shift_right_arithmetic3A_174 = vector.broadcast %shift_right_arithmetic3A : i32 to vector<16xi32>
    %shift_right_arithmetic3A_175 = arith.shrsi %iota3A, %shift_right_arithmetic3A_174 : vector<16xi32>
    %and3A = arith.constant 3 : i32
    %and3A_176 = vector.broadcast %and3A : i32 to vector<16xi32>
    %and3A_177 = arith.andi %iota3A, %and3A_176 : vector<16xi32>
    %while3A = arith.constant 0 : i32
    %while3A_178 = arith.constant 196 : i32
    %while3A_179 = arith.subi %while3A_178, %select_n3A_6 : i32
    %while3A_180 = arith.addi %select_n3A_6, %while3A_179 : i32
    %while3A_181 = arith.constant 1 : i32
    %while3A_182 = arith.divsi %while3A_179, %while3A_181 : i32
    %while3A_183 = arith.muli %while3A_182, %while3A_181 : i32
    %while3A_184 = arith.addi %select_n3A_6, %while3A_183 : i32
    %while3A_185 = arith.constant 1 : i32
    scf.for %while3A_187 = %select_n3A_6 to %while3A_184 step %while3A_185  : i32 {
      %mul3A_188 = arith.constant 16 : i32
      %mul3A_189 = arith.muli %while3A_187, %mul3A_188 : i32
      %get3A = arith.index_cast %mul3A_189 : i32 to index
      %get3A_190 = tpu.vector_load %arg8[%get3A] {strides = array<i32>} : memref<15680xf32, #tpu.memory_space<vmem>>, vector<16xf32>,
      %add3A_191 = arith.constant 3136 : i32
      %add3A_192 = arith.addi %add3A_191, %mul3A_189 : i32
      %get3A_193 = arith.index_cast %add3A_192 : i32 to index
      %get3A_194 = tpu.vector_load %arg8[%get3A_193] {strides = array<i32>} : memref<15680xf32, #tpu.memory_space<vmem>>, vector<16xf32>,
      %add3A_195 = arith.constant 6272 : i32
      %add3A_196 = arith.addi %add3A_195, %mul3A_189 : i32
      %get3A_197 = arith.index_cast %add3A_196 : i32 to index
      %get3A_198 = tpu.vector_load %arg8[%get3A_197] {strides = array<i32>} : memref<15680xf32, #tpu.memory_space<vmem>>, vector<16xf32>,
      %add3A_199 = arith.constant 9408 : i32
      %add3A_200 = arith.addi %add3A_199, %mul3A_189 : i32
      %get3A_201 = arith.index_cast %add3A_200 : i32 to index
      %get3A_202 = tpu.vector_load %arg8[%get3A_201] {strides = array<i32>} : memref<15680xf32, #tpu.memory_space<vmem>>, vector<16xf32>,
      %add3A_203 = arith.constant 12544 : i32
      %add3A_204 = arith.addi %add3A_203, %mul3A_189 : i32
      %get3A_205 = arith.index_cast %add3A_204 : i32 to index
      %get3A_206 = tpu.vector_load %arg8[%get3A_205] {strides = array<i32>} : memref<15680xf32, #tpu.memory_space<vmem>>, vector<16xf32>,
      %max3A = arith.constant 0.00552427163 : f32
      %max3A_207 = vector.broadcast %max3A : f32 to vector<16xf32>
      %max3A_208 = arith.maximumf %get3A_198, %max3A_207 : vector<16xf32>
      %max3A_209 = arith.constant 0.00552427163 : f32
      %max3A_210 = vector.broadcast %max3A_209 : f32 to vector<16xf32>
      %max3A_211 = arith.maximumf %get3A_202, %max3A_210 : vector<16xf32>
      %mul3A_212 = arith.constant 0.00999999977 : f32
      %mul3A_213 = vector.broadcast %mul3A_212 : f32 to vector<16xf32>
      %mul3A_214 = arith.mulf %get3A_206, %mul3A_213 : vector<16xf32>
      %mul3A_215 = arith.mulf %max3A_208, %max3A_211 : vector<16xf32>
      %div3A = arith.divf %mul3A_214, %mul3A_215 : vector<16xf32>
      %mul3A_216 = arith.constant 1.280000e+02 : f32
      %mul3A_217 = vector.broadcast %mul3A_216 : f32 to vector<16xf32>
      %mul3A_218 = arith.mulf %max3A_208, %mul3A_217 : vector<16xf32>
      %mul3A_219 = arith.constant 2.560000e+02 : f32
      %mul3A_220 = vector.broadcast %mul3A_219 : f32 to vector<16xf32>
      %mul3A_221 = arith.mulf %get3A_190, %mul3A_220 : vector<16xf32>
      %sub3A = arith.subf %mul3A_221, %mul3A_218 : vector<16xf32>
      %add3A_222 = arith.constant 8.000000e+00 : f32
      %add3A_223 = vector.broadcast %add3A_222 : f32 to vector<16xf32>
      %add3A_224 = arith.addf %sub3A, %add3A_223 : vector<16xf32>
      %add3A_225 = arith.addf %add3A_224, %mul3A_218 : vector<16xf32>
      %add3A_226 = arith.addf %add3A_225, %mul3A_218 : vector<16xf32>
      %convert_element_type3A = arith.fptosi %add3A_224 : vector<16xf32> to vector<16xi32>
      %convert_element_type3A_227 = arith.sitofp %convert_element_type3A : vector<16xi32> to vector<16xf32>
      %sub3A_228 = arith.subf %add3A_224, %convert_element_type3A_227 : vector<16xf32>
      %convert_element_type3A_229 = arith.fptosi %add3A_226 : vector<16xf32> to vector<16xi32>
      %convert_element_type3A_230 = arith.sitofp %convert_element_type3A_229 : vector<16xi32> to vector<16xf32>
      %sub3A_231 = arith.subf %add3A_226, %convert_element_type3A_230 : vector<16xf32>
      %sub3A_232 = arith.constant 4 : i32
      %sub3A_233 = vector.broadcast %sub3A_232 : i32 to vector<16xi32>
      %sub3A_234 = arith.subi %convert_element_type3A, %sub3A_233 : vector<16xi32>
      %sub3A_235 = arith.constant 4 : i32
      %sub3A_236 = vector.broadcast %sub3A_235 : i32 to vector<16xi32>
      %sub3A_237 = arith.subi %convert_element_type3A_229, %sub3A_236 : vector<16xi32>
      %sub3A_238 = arith.subi %sub3A_237, %sub3A_234 : vector<16xi32>
      %eq3A_239 = arith.constant 1 : i32
      %eq3A_240 = vector.broadcast %eq3A_239 : i32 to vector<16xi32>
      %eq3A_241 = arith.cmpi eq, %sub3A_238, %eq3A_240 : vector<16xi32>
      %add3A_242 = arith.constant 1 : i32
      %add3A_243 = vector.broadcast %add3A_242 : i32 to vector<16xi32>
      %add3A_244 = arith.addi %sub3A_234, %add3A_243 : vector<16xi32>
      %sub3A_245 = arith.constant 1 : i32
      %sub3A_246 = vector.broadcast %sub3A_245 : i32 to vector<16xi32>
      %sub3A_247 = arith.subi %sub3A_234, %sub3A_246 : vector<16xi32>
      %select_n3A_248 = arith.select %eq3A_241, %sub3A_247, %sub3A_237 : vector<16xi1>, vector<16xi32>
      %add3A_249 = arith.constant 1 : i32
      %add3A_250 = vector.broadcast %add3A_249 : i32 to vector<16xi32>
      %add3A_251 = arith.addi %sub3A_237, %add3A_250 : vector<16xi32>
      %sub3A_252 = arith.constant 1.000000e+00 : f32
      %sub3A_253 = vector.broadcast %sub3A_252 : f32 to vector<16xf32>
      %sub3A_254 = arith.subf %sub3A_253, %sub3A_228 : vector<16xf32>
      %sub3A_255 = arith.constant 1.000000e+00 : f32
      %sub3A_256 = vector.broadcast %sub3A_255 : f32 to vector<16xf32>
      %sub3A_257 = arith.subf %sub3A_228, %sub3A_256 : vector<16xf32>
      %add3A_258 = arith.addf %sub3A_257, %sub3A_231 : vector<16xf32>
      %select_n3A_259 = arith.select %eq3A_241, %add3A_258, %sub3A_228 : vector<16xi1>, vector<16xf32>
      %sub3A_260 = arith.constant 1.000000e+00 : f32
      %sub3A_261 = vector.broadcast %sub3A_260 : f32 to vector<16xf32>
      %sub3A_262 = arith.subf %sub3A_231, %sub3A_261 : vector<16xf32>
      %jit3A_263 = arith.constant 0.000000e+00 : f32
      %broadcast_in_dim3A_264 = vector.broadcast %jit3A_263 : f32 to vector<16xf32>
      %select_n3A_265 = arith.select %eq3A_241, %broadcast_in_dim3A_264, %sub3A_262 : vector<16xi1>, vector<16xf32>
      %neg3A = arith.constant 0.000000e+00 : f32
      %neg3A_266 = vector.broadcast %neg3A : f32 to vector<16xf32>
      %neg3A_267 = arith.subf %neg3A_266, %sub3A_231 : vector<16xf32>
      %mul3A_268 = arith.constant 1.280000e+02 : f32
      %mul3A_269 = vector.broadcast %mul3A_268 : f32 to vector<16xf32>
      %mul3A_270 = arith.mulf %max3A_211, %mul3A_269 : vector<16xf32>
      %mul3A_271 = arith.constant 2.560000e+02 : f32
      %mul3A_272 = vector.broadcast %mul3A_271 : f32 to vector<16xf32>
      %mul3A_273 = arith.mulf %get3A_194, %mul3A_272 : vector<16xf32>
      %sub3A_274 = arith.subf %mul3A_273, %mul3A_270 : vector<16xf32>
      %add3A_275 = arith.constant 8.000000e+00 : f32
      %add3A_276 = vector.broadcast %add3A_275 : f32 to vector<16xf32>
      %add3A_277 = arith.addf %sub3A_274, %add3A_276 : vector<16xf32>
      %add3A_278 = arith.addf %add3A_277, %mul3A_270 : vector<16xf32>
      %add3A_279 = arith.addf %add3A_278, %mul3A_270 : vector<16xf32>
      %convert_element_type3A_280 = arith.fptosi %add3A_277 : vector<16xf32> to vector<16xi32>
      %convert_element_type3A_281 = arith.sitofp %convert_element_type3A_280 : vector<16xi32> to vector<16xf32>
      %sub3A_282 = arith.subf %add3A_277, %convert_element_type3A_281 : vector<16xf32>
      %convert_element_type3A_283 = arith.fptosi %add3A_279 : vector<16xf32> to vector<16xi32>
      %convert_element_type3A_284 = arith.sitofp %convert_element_type3A_283 : vector<16xi32> to vector<16xf32>
      %sub3A_285 = arith.subf %add3A_279, %convert_element_type3A_284 : vector<16xf32>
      %sub3A_286 = arith.constant 4 : i32
      %sub3A_287 = vector.broadcast %sub3A_286 : i32 to vector<16xi32>
      %sub3A_288 = arith.subi %convert_element_type3A_280, %sub3A_287 : vector<16xi32>
      %sub3A_289 = arith.constant 4 : i32
      %sub3A_290 = vector.broadcast %sub3A_289 : i32 to vector<16xi32>
      %sub3A_291 = arith.subi %convert_element_type3A_283, %sub3A_290 : vector<16xi32>
      %sub3A_292 = arith.subi %sub3A_291, %sub3A_288 : vector<16xi32>
      %eq3A_293 = arith.constant 1 : i32
      %eq3A_294 = vector.broadcast %eq3A_293 : i32 to vector<16xi32>
      %eq3A_295 = arith.cmpi eq, %sub3A_292, %eq3A_294 : vector<16xi32>
      %add3A_296 = arith.constant 1 : i32
      %add3A_297 = vector.broadcast %add3A_296 : i32 to vector<16xi32>
      %add3A_298 = arith.addi %sub3A_288, %add3A_297 : vector<16xi32>
      %sub3A_299 = arith.constant 1 : i32
      %sub3A_300 = vector.broadcast %sub3A_299 : i32 to vector<16xi32>
      %sub3A_301 = arith.subi %sub3A_288, %sub3A_300 : vector<16xi32>
      %select_n3A_302 = arith.select %eq3A_295, %sub3A_301, %sub3A_291 : vector<16xi1>, vector<16xi32>
      %add3A_303 = arith.constant 1 : i32
      %add3A_304 = vector.broadcast %add3A_303 : i32 to vector<16xi32>
      %add3A_305 = arith.addi %sub3A_291, %add3A_304 : vector<16xi32>
      %sub3A_306 = arith.constant 1.000000e+00 : f32
      %sub3A_307 = vector.broadcast %sub3A_306 : f32 to vector<16xf32>
      %sub3A_308 = arith.subf %sub3A_307, %sub3A_282 : vector<16xf32>
      %sub3A_309 = arith.constant 1.000000e+00 : f32
      %sub3A_310 = vector.broadcast %sub3A_309 : f32 to vector<16xf32>
      %sub3A_311 = arith.subf %sub3A_282, %sub3A_310 : vector<16xf32>
      %add3A_312 = arith.addf %sub3A_311, %sub3A_285 : vector<16xf32>
      %select_n3A_313 = arith.select %eq3A_295, %add3A_312, %sub3A_282 : vector<16xi1>, vector<16xf32>
      %sub3A_314 = arith.constant 1.000000e+00 : f32
      %sub3A_315 = vector.broadcast %sub3A_314 : f32 to vector<16xf32>
      %sub3A_316 = arith.subf %sub3A_285, %sub3A_315 : vector<16xf32>
      %jit3A_317 = arith.constant 0.000000e+00 : f32
      %broadcast_in_dim3A_318 = vector.broadcast %jit3A_317 : f32 to vector<16xf32>
      %select_n3A_319 = arith.select %eq3A_295, %broadcast_in_dim3A_318, %sub3A_316 : vector<16xi1>, vector<16xf32>
      %neg3A_320 = arith.constant 0.000000e+00 : f32
      %neg3A_321 = vector.broadcast %neg3A_320 : f32 to vector<16xf32>
      %neg3A_322 = arith.subf %neg3A_321, %sub3A_285 : vector<16xf32>
      %mul3A_323 = arith.constant 264 : i32
      %mul3A_324 = vector.broadcast %mul3A_323 : i32 to vector<16xi32>
      %mul3A_325 = arith.muli %sub3A_234, %mul3A_324 : vector<16xi32>
      %bitcast3A = vector.bitcast %mul3A_325 : vector<16xi32> to vector<16xf32>
      tpu.vector_store_idx %arg10[%add3A_83], %bitcast3A : memref<272xf32, #tpu.memory_space<vmem>>[vector<16xi32>], vector<16xf32>,
      %bitcast3A_326 = vector.bitcast %sub3A_288 : vector<16xi32> to vector<16xf32>
      tpu.vector_store_idx %arg10[%add3A_107], %bitcast3A_326 : memref<272xf32, #tpu.memory_space<vmem>>[vector<16xi32>], vector<16xf32>,
      %mul3A_327 = arith.mulf %sub3A_254, %div3A : vector<16xf32>
      tpu.vector_store_idx %arg10[%add3A_131], %mul3A_327 : memref<272xf32, #tpu.memory_space<vmem>>[vector<16xi32>], vector<16xf32>,
      tpu.vector_store_idx %arg10[%add3A_155], %sub3A_308 : memref<272xf32, #tpu.memory_space<vmem>>[vector<16xi32>], vector<16xf32>,
      %mul3A_328 = arith.constant 264 : i32
      %mul3A_329 = vector.broadcast %mul3A_328 : i32 to vector<16xi32>
      %mul3A_330 = arith.muli %add3A_244, %mul3A_329 : vector<16xi32>
      %bitcast3A_331 = vector.bitcast %mul3A_330 : vector<16xi32> to vector<16xf32>
      tpu.vector_store_idx %arg10[%add3A_89], %bitcast3A_331 : memref<272xf32, #tpu.memory_space<vmem>>[vector<16xi32>], vector<16xf32>,
      %bitcast3A_332 = vector.bitcast %add3A_298 : vector<16xi32> to vector<16xf32>
      tpu.vector_store_idx %arg10[%add3A_113], %bitcast3A_332 : memref<272xf32, #tpu.memory_space<vmem>>[vector<16xi32>], vector<16xf32>,
      %mul3A_333 = arith.mulf %select_n3A_259, %div3A : vector<16xf32>
      tpu.vector_store_idx %arg10[%add3A_137], %mul3A_333 : memref<272xf32, #tpu.memory_space<vmem>>[vector<16xi32>], vector<16xf32>,
      tpu.vector_store_idx %arg10[%add3A_161], %select_n3A_313 : memref<272xf32, #tpu.memory_space<vmem>>[vector<16xi32>], vector<16xf32>,
      %mul3A_334 = arith.constant 264 : i32
      %mul3A_335 = vector.broadcast %mul3A_334 : i32 to vector<16xi32>
      %mul3A_336 = arith.muli %select_n3A_248, %mul3A_335 : vector<16xi32>
      %bitcast3A_337 = vector.bitcast %mul3A_336 : vector<16xi32> to vector<16xf32>
      tpu.vector_store_idx %arg10[%add3A_95], %bitcast3A_337 : memref<272xf32, #tpu.memory_space<vmem>>[vector<16xi32>], vector<16xf32>,
      %bitcast3A_338 = vector.bitcast %select_n3A_302 : vector<16xi32> to vector<16xf32>
      tpu.vector_store_idx %arg10[%add3A_119], %bitcast3A_338 : memref<272xf32, #tpu.memory_space<vmem>>[vector<16xi32>], vector<16xf32>,
      %mul3A_339 = arith.mulf %select_n3A_265, %div3A : vector<16xf32>
      tpu.vector_store_idx %arg10[%add3A_143], %mul3A_339 : memref<272xf32, #tpu.memory_space<vmem>>[vector<16xi32>], vector<16xf32>,
      tpu.vector_store_idx %arg10[%add3A_167], %select_n3A_319 : memref<272xf32, #tpu.memory_space<vmem>>[vector<16xi32>], vector<16xf32>,
      %mul3A_340 = arith.constant 264 : i32
      %mul3A_341 = vector.broadcast %mul3A_340 : i32 to vector<16xi32>
      %mul3A_342 = arith.muli %add3A_251, %mul3A_341 : vector<16xi32>
      %bitcast3A_343 = vector.bitcast %mul3A_342 : vector<16xi32> to vector<16xf32>
      tpu.vector_store_idx %arg10[%add3A_101], %bitcast3A_343 : memref<272xf32, #tpu.memory_space<vmem>>[vector<16xi32>], vector<16xf32>,
      %bitcast3A_344 = vector.bitcast %add3A_305 : vector<16xi32> to vector<16xf32>
      tpu.vector_store_idx %arg10[%add3A_125], %bitcast3A_344 : memref<272xf32, #tpu.memory_space<vmem>>[vector<16xi32>], vector<16xf32>,
      %mul3A_345 = arith.mulf %neg3A_267, %div3A : vector<16xf32>
      tpu.vector_store_idx %arg10[%add3A_149], %mul3A_345 : memref<272xf32, #tpu.memory_space<vmem>>[vector<16xi32>], vector<16xf32>,
      tpu.vector_store_idx %arg10[%add3A_173], %neg3A_322 : memref<272xf32, #tpu.memory_space<vmem>>[vector<16xi32>], vector<16xf32>,
      %parallel_loop3A = arith.constant 0 : i32
      %parallel_loop3A_346 = arith.constant 16 : i32
      %parallel_loop3A_347 = arith.constant 1 : i32
      scf.for %parallel_loop3A_348 = %parallel_loop3A to %parallel_loop3A_346 step %parallel_loop3A_347  : i32 {
        %parallel_loop3A_349 = arith.constant 17 : i32
        %parallel_loop3A_350 = arith.muli %parallel_loop3A_348, %parallel_loop3A_349 : i32
        %parallel_loop3A_351 = arith.index_cast %parallel_loop3A_350 : i32 to index
        %parallel_loop3A_352 = tpu.vector_load %arg10[%parallel_loop3A_351] {strides = array<i32>} : memref<272xf32, #tpu.memory_space<vmem>>, vector<16xf32>,
        %parallel_loop3A_353 = vector.shape_cast %shift_right_arithmetic3A_175 : vector<16xi32> to vector<16x1xi32>
        %parallel_loop3A_354 = vector.shape_cast %parallel_loop3A_353 : vector<16x1xi32> to vector<16xi32>
        %parallel_loop3A_355 = tpu.dynamic_gather %parallel_loop3A_352[%parallel_loop3A_354] in [0] : vector<16xf32>, vector<16xi32> -> vector<16xf32>
        %parallel_loop3A_356 = vector.bitcast %parallel_loop3A_355 : vector<16xf32> to vector<16xi32>
        %parallel_loop3A_357 = arith.constant 4 : i32
        %parallel_loop3A_358 = vector.broadcast %parallel_loop3A_357 : i32 to vector<16xi32>
        %parallel_loop3A_359 = arith.addi %parallel_loop3A_358, %and3A_177 : vector<16xi32>
        %parallel_loop3A_360 = vector.shape_cast %parallel_loop3A_359 : vector<16xi32> to vector<16x1xi32>
        %parallel_loop3A_361 = vector.shape_cast %parallel_loop3A_360 : vector<16x1xi32> to vector<16xi32>
        %parallel_loop3A_362 = tpu.dynamic_gather %parallel_loop3A_352[%parallel_loop3A_361] in [0] : vector<16xf32>, vector<16xi32> -> vector<16xf32>
        %parallel_loop3A_363 = vector.bitcast %parallel_loop3A_362 : vector<16xf32> to vector<16xi32>
        %parallel_loop3A_364 = arith.constant 8 : i32
        %parallel_loop3A_365 = vector.broadcast %parallel_loop3A_364 : i32 to vector<16xi32>
        %parallel_loop3A_366 = arith.addi %parallel_loop3A_365, %shift_right_arithmetic3A_175 : vector<16xi32>
        %parallel_loop3A_367 = vector.shape_cast %parallel_loop3A_366 : vector<16xi32> to vector<16x1xi32>
        %parallel_loop3A_368 = vector.shape_cast %parallel_loop3A_367 : vector<16x1xi32> to vector<16xi32>
        %parallel_loop3A_369 = tpu.dynamic_gather %parallel_loop3A_352[%parallel_loop3A_368] in [0] : vector<16xf32>, vector<16xi32> -> vector<16xf32>
        %parallel_loop3A_370 = arith.constant 12 : i32
        %parallel_loop3A_371 = vector.broadcast %parallel_loop3A_370 : i32 to vector<16xi32>
        %parallel_loop3A_372 = arith.addi %parallel_loop3A_371, %and3A_177 : vector<16xi32>
        %parallel_loop3A_373 = vector.shape_cast %parallel_loop3A_372 : vector<16xi32> to vector<16x1xi32>
        %parallel_loop3A_374 = vector.shape_cast %parallel_loop3A_373 : vector<16x1xi32> to vector<16xi32>
        %parallel_loop3A_375 = tpu.dynamic_gather %parallel_loop3A_352[%parallel_loop3A_374] in [0] : vector<16xf32>, vector<16xi32> -> vector<16xf32>
        %parallel_loop3A_376 = arith.mulf %parallel_loop3A_369, %parallel_loop3A_375 : vector<16xf32>
        %parallel_loop3A_377 = arith.addi %parallel_loop3A_356, %parallel_loop3A_363 : vector<16xi32>
        tpu.vector_store_idx %arg9[%parallel_loop3A_377], %parallel_loop3A_376 {add = true} : memref<101376xf32, #tpu.memory_space<vmem>>[vector<16xi32>], vector<16xf32>,
      } {sc.loop_unroll_factor = 16 : i64, sc.parallel_access}
    }
    %while3A_186 = arith.constant 1 : i32
    scf.for %while3A_187 = %while3A_184 to %while3A_180 step %while3A_186  : i32 {
      %mul3A_188 = arith.constant 16 : i32
      %mul3A_189 = arith.muli %while3A_187, %mul3A_188 : i32
      %get3A = arith.index_cast %mul3A_189 : i32 to index
      %get3A_190 = tpu.vector_load %arg8[%get3A] {strides = array<i32>} : memref<15680xf32, #tpu.memory_space<vmem>>, vector<16xf32>,
      %add3A_191 = arith.constant 3136 : i32
      %add3A_192 = arith.addi %add3A_191, %mul3A_189 : i32
      %get3A_193 = arith.index_cast %add3A_192 : i32 to index
      %get3A_194 = tpu.vector_load %arg8[%get3A_193] {strides = array<i32>} : memref<15680xf32, #tpu.memory_space<vmem>>, vector<16xf32>,
      %add3A_195 = arith.constant 6272 : i32
      %add3A_196 = arith.addi %add3A_195, %mul3A_189 : i32
      %get3A_197 = arith.index_cast %add3A_196 : i32 to index
      %get3A_198 = tpu.vector_load %arg8[%get3A_197] {strides = array<i32>} : memref<15680xf32, #tpu.memory_space<vmem>>, vector<16xf32>,
      %add3A_199 = arith.constant 9408 : i32
      %add3A_200 = arith.addi %add3A_199, %mul3A_189 : i32
      %get3A_201 = arith.index_cast %add3A_200 : i32 to index
      %get3A_202 = tpu.vector_load %arg8[%get3A_201] {strides = array<i32>} : memref<15680xf32, #tpu.memory_space<vmem>>, vector<16xf32>,
      %add3A_203 = arith.constant 12544 : i32
      %add3A_204 = arith.addi %add3A_203, %mul3A_189 : i32
      %get3A_205 = arith.index_cast %add3A_204 : i32 to index
      %get3A_206 = tpu.vector_load %arg8[%get3A_205] {strides = array<i32>} : memref<15680xf32, #tpu.memory_space<vmem>>, vector<16xf32>,
      %max3A = arith.constant 0.00552427163 : f32
      %max3A_207 = vector.broadcast %max3A : f32 to vector<16xf32>
      %max3A_208 = arith.maximumf %get3A_198, %max3A_207 : vector<16xf32>
      %max3A_209 = arith.constant 0.00552427163 : f32
      %max3A_210 = vector.broadcast %max3A_209 : f32 to vector<16xf32>
      %max3A_211 = arith.maximumf %get3A_202, %max3A_210 : vector<16xf32>
      %mul3A_212 = arith.constant 0.00999999977 : f32
      %mul3A_213 = vector.broadcast %mul3A_212 : f32 to vector<16xf32>
      %mul3A_214 = arith.mulf %get3A_206, %mul3A_213 : vector<16xf32>
      %mul3A_215 = arith.mulf %max3A_208, %max3A_211 : vector<16xf32>
      %div3A = arith.divf %mul3A_214, %mul3A_215 : vector<16xf32>
      %mul3A_216 = arith.constant 1.280000e+02 : f32
      %mul3A_217 = vector.broadcast %mul3A_216 : f32 to vector<16xf32>
      %mul3A_218 = arith.mulf %max3A_208, %mul3A_217 : vector<16xf32>
      %mul3A_219 = arith.constant 2.560000e+02 : f32
      %mul3A_220 = vector.broadcast %mul3A_219 : f32 to vector<16xf32>
      %mul3A_221 = arith.mulf %get3A_190, %mul3A_220 : vector<16xf32>
      %sub3A = arith.subf %mul3A_221, %mul3A_218 : vector<16xf32>
      %add3A_222 = arith.constant 8.000000e+00 : f32
      %add3A_223 = vector.broadcast %add3A_222 : f32 to vector<16xf32>
      %add3A_224 = arith.addf %sub3A, %add3A_223 : vector<16xf32>
      %add3A_225 = arith.addf %add3A_224, %mul3A_218 : vector<16xf32>
      %add3A_226 = arith.addf %add3A_225, %mul3A_218 : vector<16xf32>
      %convert_element_type3A = arith.fptosi %add3A_224 : vector<16xf32> to vector<16xi32>
      %convert_element_type3A_227 = arith.sitofp %convert_element_type3A : vector<16xi32> to vector<16xf32>
      %sub3A_228 = arith.subf %add3A_224, %convert_element_type3A_227 : vector<16xf32>
      %convert_element_type3A_229 = arith.fptosi %add3A_226 : vector<16xf32> to vector<16xi32>
      %convert_element_type3A_230 = arith.sitofp %convert_element_type3A_229 : vector<16xi32> to vector<16xf32>
      %sub3A_231 = arith.subf %add3A_226, %convert_element_type3A_230 : vector<16xf32>
      %sub3A_232 = arith.constant 4 : i32
      %sub3A_233 = vector.broadcast %sub3A_232 : i32 to vector<16xi32>
      %sub3A_234 = arith.subi %convert_element_type3A, %sub3A_233 : vector<16xi32>
      %sub3A_235 = arith.constant 4 : i32
      %sub3A_236 = vector.broadcast %sub3A_235 : i32 to vector<16xi32>
      %sub3A_237 = arith.subi %convert_element_type3A_229, %sub3A_236 : vector<16xi32>
      %sub3A_238 = arith.subi %sub3A_237, %sub3A_234 : vector<16xi32>
      %eq3A_239 = arith.constant 1 : i32
      %eq3A_240 = vector.broadcast %eq3A_239 : i32 to vector<16xi32>
      %eq3A_241 = arith.cmpi eq, %sub3A_238, %eq3A_240 : vector<16xi32>
      %add3A_242 = arith.constant 1 : i32
      %add3A_243 = vector.broadcast %add3A_242 : i32 to vector<16xi32>
      %add3A_244 = arith.addi %sub3A_234, %add3A_243 : vector<16xi32>
      %sub3A_245 = arith.constant 1 : i32
      %sub3A_246 = vector.broadcast %sub3A_245 : i32 to vector<16xi32>
      %sub3A_247 = arith.subi %sub3A_234, %sub3A_246 : vector<16xi32>
      %select_n3A_248 = arith.select %eq3A_241, %sub3A_247, %sub3A_237 : vector<16xi1>, vector<16xi32>
      %add3A_249 = arith.constant 1 : i32
      %add3A_250 = vector.broadcast %add3A_249 : i32 to vector<16xi32>
      %add3A_251 = arith.addi %sub3A_237, %add3A_250 : vector<16xi32>
      %sub3A_252 = arith.constant 1.000000e+00 : f32
      %sub3A_253 = vector.broadcast %sub3A_252 : f32 to vector<16xf32>
      %sub3A_254 = arith.subf %sub3A_253, %sub3A_228 : vector<16xf32>
      %sub3A_255 = arith.constant 1.000000e+00 : f32
      %sub3A_256 = vector.broadcast %sub3A_255 : f32 to vector<16xf32>
      %sub3A_257 = arith.subf %sub3A_228, %sub3A_256 : vector<16xf32>
      %add3A_258 = arith.addf %sub3A_257, %sub3A_231 : vector<16xf32>
      %select_n3A_259 = arith.select %eq3A_241, %add3A_258, %sub3A_228 : vector<16xi1>, vector<16xf32>
      %sub3A_260 = arith.constant 1.000000e+00 : f32
      %sub3A_261 = vector.broadcast %sub3A_260 : f32 to vector<16xf32>
      %sub3A_262 = arith.subf %sub3A_231, %sub3A_261 : vector<16xf32>
      %jit3A_263 = arith.constant 0.000000e+00 : f32
      %broadcast_in_dim3A_264 = vector.broadcast %jit3A_263 : f32 to vector<16xf32>
      %select_n3A_265 = arith.select %eq3A_241, %broadcast_in_dim3A_264, %sub3A_262 : vector<16xi1>, vector<16xf32>
      %neg3A = arith.constant 0.000000e+00 : f32
      %neg3A_266 = vector.broadcast %neg3A : f32 to vector<16xf32>
      %neg3A_267 = arith.subf %neg3A_266, %sub3A_231 : vector<16xf32>
      %mul3A_268 = arith.constant 1.280000e+02 : f32
      %mul3A_269 = vector.broadcast %mul3A_268 : f32 to vector<16xf32>
      %mul3A_270 = arith.mulf %max3A_211, %mul3A_269 : vector<16xf32>
      %mul3A_271 = arith.constant 2.560000e+02 : f32
      %mul3A_272 = vector.broadcast %mul3A_271 : f32 to vector<16xf32>
      %mul3A_273 = arith.mulf %get3A_194, %mul3A_272 : vector<16xf32>
      %sub3A_274 = arith.subf %mul3A_273, %mul3A_270 : vector<16xf32>
      %add3A_275 = arith.constant 8.000000e+00 : f32
      %add3A_276 = vector.broadcast %add3A_275 : f32 to vector<16xf32>
      %add3A_277 = arith.addf %sub3A_274, %add3A_276 : vector<16xf32>
      %add3A_278 = arith.addf %add3A_277, %mul3A_270 : vector<16xf32>
      %add3A_279 = arith.addf %add3A_278, %mul3A_270 : vector<16xf32>
      %convert_element_type3A_280 = arith.fptosi %add3A_277 : vector<16xf32> to vector<16xi32>
      %convert_element_type3A_281 = arith.sitofp %convert_element_type3A_280 : vector<16xi32> to vector<16xf32>
      %sub3A_282 = arith.subf %add3A_277, %convert_element_type3A_281 : vector<16xf32>
      %convert_element_type3A_283 = arith.fptosi %add3A_279 : vector<16xf32> to vector<16xi32>
      %convert_element_type3A_284 = arith.sitofp %convert_element_type3A_283 : vector<16xi32> to vector<16xf32>
      %sub3A_285 = arith.subf %add3A_279, %convert_element_type3A_284 : vector<16xf32>
      %sub3A_286 = arith.constant 4 : i32
      %sub3A_287 = vector.broadcast %sub3A_286 : i32 to vector<16xi32>
      %sub3A_288 = arith.subi %convert_element_type3A_280, %sub3A_287 : vector<16xi32>
      %sub3A_289 = arith.constant 4 : i32
      %sub3A_290 = vector.broadcast %sub3A_289 : i32 to vector<16xi32>
      %sub3A_291 = arith.subi %convert_element_type3A_283, %sub3A_290 : vector<16xi32>
      %sub3A_292 = arith.subi %sub3A_291, %sub3A_288 : vector<16xi32>
      %eq3A_293 = arith.constant 1 : i32
      %eq3A_294 = vector.broadcast %eq3A_293 : i32 to vector<16xi32>
      %eq3A_295 = arith.cmpi eq, %sub3A_292, %eq3A_294 : vector<16xi32>
      %add3A_296 = arith.constant 1 : i32
      %add3A_297 = vector.broadcast %add3A_296 : i32 to vector<16xi32>
      %add3A_298 = arith.addi %sub3A_288, %add3A_297 : vector<16xi32>
      %sub3A_299 = arith.constant 1 : i32
      %sub3A_300 = vector.broadcast %sub3A_299 : i32 to vector<16xi32>
      %sub3A_301 = arith.subi %sub3A_288, %sub3A_300 : vector<16xi32>
      %select_n3A_302 = arith.select %eq3A_295, %sub3A_301, %sub3A_291 : vector<16xi1>, vector<16xi32>
      %add3A_303 = arith.constant 1 : i32
      %add3A_304 = vector.broadcast %add3A_303 : i32 to vector<16xi32>
      %add3A_305 = arith.addi %sub3A_291, %add3A_304 : vector<16xi32>
      %sub3A_306 = arith.constant 1.000000e+00 : f32
      %sub3A_307 = vector.broadcast %sub3A_306 : f32 to vector<16xf32>
      %sub3A_308 = arith.subf %sub3A_307, %sub3A_282 : vector<16xf32>
      %sub3A_309 = arith.constant 1.000000e+00 : f32
      %sub3A_310 = vector.broadcast %sub3A_309 : f32 to vector<16xf32>
      %sub3A_311 = arith.subf %sub3A_282, %sub3A_310 : vector<16xf32>
      %add3A_312 = arith.addf %sub3A_311, %sub3A_285 : vector<16xf32>
      %select_n3A_313 = arith.select %eq3A_295, %add3A_312, %sub3A_282 : vector<16xi1>, vector<16xf32>
      %sub3A_314 = arith.constant 1.000000e+00 : f32
      %sub3A_315 = vector.broadcast %sub3A_314 : f32 to vector<16xf32>
      %sub3A_316 = arith.subf %sub3A_285, %sub3A_315 : vector<16xf32>
      %jit3A_317 = arith.constant 0.000000e+00 : f32
      %broadcast_in_dim3A_318 = vector.broadcast %jit3A_317 : f32 to vector<16xf32>
      %select_n3A_319 = arith.select %eq3A_295, %broadcast_in_dim3A_318, %sub3A_316 : vector<16xi1>, vector<16xf32>
      %neg3A_320 = arith.constant 0.000000e+00 : f32
      %neg3A_321 = vector.broadcast %neg3A_320 : f32 to vector<16xf32>
      %neg3A_322 = arith.subf %neg3A_321, %sub3A_285 : vector<16xf32>
      %mul3A_323 = arith.constant 264 : i32
      %mul3A_324 = vector.broadcast %mul3A_323 : i32 to vector<16xi32>
      %mul3A_325 = arith.muli %sub3A_234, %mul3A_324 : vector<16xi32>
      %bitcast3A = vector.bitcast %mul3A_325 : vector<16xi32> to vector<16xf32>
      tpu.vector_store_idx %arg10[%add3A_83], %bitcast3A : memref<272xf32, #tpu.memory_space<vmem>>[vector<16xi32>], vector<16xf32>,
      %bitcast3A_326 = vector.bitcast %sub3A_288 : vector<16xi32> to vector<16xf32>
      tpu.vector_store_idx %arg10[%add3A_107], %bitcast3A_326 : memref<272xf32, #tpu.memory_space<vmem>>[vector<16xi32>], vector<16xf32>,
      %mul3A_327 = arith.mulf %sub3A_254, %div3A : vector<16xf32>
      tpu.vector_store_idx %arg10[%add3A_131], %mul3A_327 : memref<272xf32, #tpu.memory_space<vmem>>[vector<16xi32>], vector<16xf32>,
      tpu.vector_store_idx %arg10[%add3A_155], %sub3A_308 : memref<272xf32, #tpu.memory_space<vmem>>[vector<16xi32>], vector<16xf32>,
      %mul3A_328 = arith.constant 264 : i32
      %mul3A_329 = vector.broadcast %mul3A_328 : i32 to vector<16xi32>
      %mul3A_330 = arith.muli %add3A_244, %mul3A_329 : vector<16xi32>
      %bitcast3A_331 = vector.bitcast %mul3A_330 : vector<16xi32> to vector<16xf32>
      tpu.vector_store_idx %arg10[%add3A_89], %bitcast3A_331 : memref<272xf32, #tpu.memory_space<vmem>>[vector<16xi32>], vector<16xf32>,
      %bitcast3A_332 = vector.bitcast %add3A_298 : vector<16xi32> to vector<16xf32>
      tpu.vector_store_idx %arg10[%add3A_113], %bitcast3A_332 : memref<272xf32, #tpu.memory_space<vmem>>[vector<16xi32>], vector<16xf32>,
      %mul3A_333 = arith.mulf %select_n3A_259, %div3A : vector<16xf32>
      tpu.vector_store_idx %arg10[%add3A_137], %mul3A_333 : memref<272xf32, #tpu.memory_space<vmem>>[vector<16xi32>], vector<16xf32>,
      tpu.vector_store_idx %arg10[%add3A_161], %select_n3A_313 : memref<272xf32, #tpu.memory_space<vmem>>[vector<16xi32>], vector<16xf32>,
      %mul3A_334 = arith.constant 264 : i32
      %mul3A_335 = vector.broadcast %mul3A_334 : i32 to vector<16xi32>
      %mul3A_336 = arith.muli %select_n3A_248, %mul3A_335 : vector<16xi32>
      %bitcast3A_337 = vector.bitcast %mul3A_336 : vector<16xi32> to vector<16xf32>
      tpu.vector_store_idx %arg10[%add3A_95], %bitcast3A_337 : memref<272xf32, #tpu.memory_space<vmem>>[vector<16xi32>], vector<16xf32>,
      %bitcast3A_338 = vector.bitcast %select_n3A_302 : vector<16xi32> to vector<16xf32>
      tpu.vector_store_idx %arg10[%add3A_119], %bitcast3A_338 : memref<272xf32, #tpu.memory_space<vmem>>[vector<16xi32>], vector<16xf32>,
      %mul3A_339 = arith.mulf %select_n3A_265, %div3A : vector<16xf32>
      tpu.vector_store_idx %arg10[%add3A_143], %mul3A_339 : memref<272xf32, #tpu.memory_space<vmem>>[vector<16xi32>], vector<16xf32>,
      tpu.vector_store_idx %arg10[%add3A_167], %select_n3A_319 : memref<272xf32, #tpu.memory_space<vmem>>[vector<16xi32>], vector<16xf32>,
      %mul3A_340 = arith.constant 264 : i32
      %mul3A_341 = vector.broadcast %mul3A_340 : i32 to vector<16xi32>
      %mul3A_342 = arith.muli %add3A_251, %mul3A_341 : vector<16xi32>
      %bitcast3A_343 = vector.bitcast %mul3A_342 : vector<16xi32> to vector<16xf32>
      tpu.vector_store_idx %arg10[%add3A_101], %bitcast3A_343 : memref<272xf32, #tpu.memory_space<vmem>>[vector<16xi32>], vector<16xf32>,
      %bitcast3A_344 = vector.bitcast %add3A_305 : vector<16xi32> to vector<16xf32>
      tpu.vector_store_idx %arg10[%add3A_125], %bitcast3A_344 : memref<272xf32, #tpu.memory_space<vmem>>[vector<16xi32>], vector<16xf32>,
      %mul3A_345 = arith.mulf %neg3A_267, %div3A : vector<16xf32>
      tpu.vector_store_idx %arg10[%add3A_149], %mul3A_345 : memref<272xf32, #tpu.memory_space<vmem>>[vector<16xi32>], vector<16xf32>,
      tpu.vector_store_idx %arg10[%add3A_173], %neg3A_322 : memref<272xf32, #tpu.memory_space<vmem>>[vector<16xi32>], vector<16xf32>,
      %parallel_loop3A = arith.constant 0 : i32
      %parallel_loop3A_346 = arith.constant 16 : i32
      %parallel_loop3A_347 = arith.constant 1 : i32
      scf.for %parallel_loop3A_348 = %parallel_loop3A to %parallel_loop3A_346 step %parallel_loop3A_347  : i32 {
        %parallel_loop3A_349 = arith.constant 17 : i32
        %parallel_loop3A_350 = arith.muli %parallel_loop3A_348, %parallel_loop3A_349 : i32
        %parallel_loop3A_351 = arith.index_cast %parallel_loop3A_350 : i32 to index
        %parallel_loop3A_352 = tpu.vector_load %arg10[%parallel_loop3A_351] {strides = array<i32>} : memref<272xf32, #tpu.memory_space<vmem>>, vector<16xf32>,
        %parallel_loop3A_353 = vector.shape_cast %shift_right_arithmetic3A_175 : vector<16xi32> to vector<16x1xi32>
        %parallel_loop3A_354 = vector.shape_cast %parallel_loop3A_353 : vector<16x1xi32> to vector<16xi32>
        %parallel_loop3A_355 = tpu.dynamic_gather %parallel_loop3A_352[%parallel_loop3A_354] in [0] : vector<16xf32>, vector<16xi32> -> vector<16xf32>
        %parallel_loop3A_356 = vector.bitcast %parallel_loop3A_355 : vector<16xf32> to vector<16xi32>
        %parallel_loop3A_357 = arith.constant 4 : i32
        %parallel_loop3A_358 = vector.broadcast %parallel_loop3A_357 : i32 to vector<16xi32>
        %parallel_loop3A_359 = arith.addi %parallel_loop3A_358, %and3A_177 : vector<16xi32>
        %parallel_loop3A_360 = vector.shape_cast %parallel_loop3A_359 : vector<16xi32> to vector<16x1xi32>
        %parallel_loop3A_361 = vector.shape_cast %parallel_loop3A_360 : vector<16x1xi32> to vector<16xi32>
        %parallel_loop3A_362 = tpu.dynamic_gather %parallel_loop3A_352[%parallel_loop3A_361] in [0] : vector<16xf32>, vector<16xi32> -> vector<16xf32>
        %parallel_loop3A_363 = vector.bitcast %parallel_loop3A_362 : vector<16xf32> to vector<16xi32>
        %parallel_loop3A_364 = arith.constant 8 : i32
        %parallel_loop3A_365 = vector.broadcast %parallel_loop3A_364 : i32 to vector<16xi32>
        %parallel_loop3A_366 = arith.addi %parallel_loop3A_365, %shift_right_arithmetic3A_175 : vector<16xi32>
        %parallel_loop3A_367 = vector.shape_cast %parallel_loop3A_366 : vector<16xi32> to vector<16x1xi32>
        %parallel_loop3A_368 = vector.shape_cast %parallel_loop3A_367 : vector<16x1xi32> to vector<16xi32>
        %parallel_loop3A_369 = tpu.dynamic_gather %parallel_loop3A_352[%parallel_loop3A_368] in [0] : vector<16xf32>, vector<16xi32> -> vector<16xf32>
        %parallel_loop3A_370 = arith.constant 12 : i32
        %parallel_loop3A_371 = vector.broadcast %parallel_loop3A_370 : i32 to vector<16xi32>
        %parallel_loop3A_372 = arith.addi %parallel_loop3A_371, %and3A_177 : vector<16xi32>
        %parallel_loop3A_373 = vector.shape_cast %parallel_loop3A_372 : vector<16xi32> to vector<16x1xi32>
        %parallel_loop3A_374 = vector.shape_cast %parallel_loop3A_373 : vector<16x1xi32> to vector<16xi32>
        %parallel_loop3A_375 = tpu.dynamic_gather %parallel_loop3A_352[%parallel_loop3A_374] in [0] : vector<16xf32>, vector<16xi32> -> vector<16xf32>
        %parallel_loop3A_376 = arith.mulf %parallel_loop3A_369, %parallel_loop3A_375 : vector<16xf32>
        %parallel_loop3A_377 = arith.addi %parallel_loop3A_356, %parallel_loop3A_363 : vector<16xi32>
        tpu.vector_store_idx %arg9[%parallel_loop3A_377], %parallel_loop3A_376 {add = true} : memref<101376xf32, #tpu.memory_space<vmem>>[vector<16xi32>], vector<16xf32>,
      } {sc.loop_unroll_factor = 16 : i64, sc.parallel_access}
    }
    "tpu.region"() ({
      %run_scoped3A = tpu.sem_alloc : memref<!tpu.dma_semaphore, #tpu.memory_space<semaphore_mem>>
      %dma_start3A_187 = arith.constant 0 : i32
      %dma_start3A_188 = tpu.memref_slice %arg7[%add3A, %dma_start3A_187] : memref<32x101376xf32, #tpu.memory_space<hbm>> -> memref<1x101376xf32, #tpu.memory_space<hbm>>
      %dma_start3A_189 = tpu.memref_squeeze %dma_start3A_188 : memref<1x101376xf32, #tpu.memory_space<hbm>> -> memref<101376xf32, #tpu.memory_space<hbm>>
      %dma_start3A_190 = arith.constant 0 : i32
      %dma_start3A_191 = tpu.memref_slice %arg7[%add3A, %dma_start3A_190] : memref<32x101376xf32, #tpu.memory_space<hbm>> -> memref<1x101376xf32, #tpu.memory_space<hbm>>
      %dma_start3A_192 = tpu.memref_squeeze %dma_start3A_191 : memref<1x101376xf32, #tpu.memory_space<hbm>> -> memref<101376xf32, #tpu.memory_space<hbm>>
      tpu.enqueue_dma source(%arg9 : memref<101376xf32, #tpu.memory_space<vmem>>) target(%dma_start3A_192 : memref<101376xf32, #tpu.memory_space<hbm>>) target_semaphore(%run_scoped3A : memref<!tpu.dma_semaphore, #tpu.memory_space<semaphore_mem>>)
      %dma_wait3A_193 = arith.constant 0 : i32
      %dma_wait3A_194 = tpu.memref_slice %arg7[%add3A, %dma_wait3A_193] : memref<32x101376xf32, #tpu.memory_space<hbm>> -> memref<1x101376xf32, #tpu.memory_space<hbm>>
      %dma_wait3A_195 = tpu.memref_squeeze %dma_wait3A_194 : memref<1x101376xf32, #tpu.memory_space<hbm>> -> memref<101376xf32, #tpu.memory_space<hbm>>
      %dma_wait3A_196 = arith.constant 0 : i32
      %dma_wait3A_197 = tpu.memref_slice %arg7[%add3A, %dma_wait3A_196] : memref<32x101376xf32, #tpu.memory_space<hbm>> -> memref<1x101376xf32, #tpu.memory_space<hbm>>
      %dma_wait3A_198 = tpu.memref_squeeze %dma_wait3A_197 : memref<1x101376xf32, #tpu.memory_space<hbm>> -> memref<101376xf32, #tpu.memory_space<hbm>>
      tpu.wait_dma2 semaphore(%run_scoped3A : memref<!tpu.dma_semaphore, #tpu.memory_space<semaphore_mem>>) src(%arg9 : memref<101376xf32, #tpu.memory_space<vmem>>) dst(%dma_wait3A_198 : memref<101376xf32, #tpu.memory_space<hbm>>)
      tpu.yield
    }) : () -> ()
    return
  }
}

module attributes {stable_mosaic.version = 14 : i64} {
  func.func @_tc_sum_body(%arg0: memref<32x101376xf32, #tpu.memory_space<vmem>>, %arg1: memref<101376xf32, #tpu.memory_space<vmem>>) attributes {dimension_semantics = [], scalar_prefetch = 0 : i64, scratch_operands = 0 : i64, tpu.core_type = #tpu.core_type<tc>} {
    %get3A = arith.constant 0 : index
    %get3A_0 = arith.constant 0 : index
    %get3A_1 = vector.load %arg0[%get3A, %get3A_0] : memref<32x101376xf32, #tpu.memory_space<vmem>>, vector<32x101376xf32>
    %reduce_sum3A = arith.constant dense<0.000000e+00> : vector<101376xf32>
    %reduce_sum3A_2 = vector.multi_reduction <add>, %get3A_1, %reduce_sum3A [0] : vector<32x101376xf32> to vector<101376xf32>
    %swap3A = arith.constant 0 : index
    %swap3A_3 = vector.load %arg1[%swap3A] : memref<101376xf32, #tpu.memory_space<vmem>>, vector<101376xf32>
    tpu.vector_store %arg1[%swap3A], %reduce_sum3A_2 {strides = array<i32>} : memref<101376xf32, #tpu.memory_space<vmem>>, vector<101376xf32>,
    return
  }
}

module attributes {stable_mosaic.version = 14 : i64} {
  func.func @_tc_reduce_body(%arg0: memref<384x264xf32, #tpu.memory_space<vmem>>, %arg1: memref<256x256xf32, #tpu.memory_space<vmem>>) attributes {dimension_semantics = [], scalar_prefetch = 0 : i64, scratch_operands = 0 : i64, tpu.core_type = #tpu.core_type<tc>} {
    %get3A = arith.constant 0 : index
    %get3A_0 = arith.constant 0 : index
    %get3A_1 = vector.load %arg0[%get3A, %get3A_0] : memref<384x264xf32, #tpu.memory_space<vmem>>, vector<384x264xf32>
    %iota3A = tpu.iota {dimensions = array<i32: 0>} : vector<384x264xi32>
    %lt3A = arith.constant 264 : i32
    %lt3A_2 = vector.broadcast %lt3A : i32 to vector<384x264xi32>
    %lt3A_3 = arith.cmpi slt, %iota3A, %lt3A_2 : vector<384x264xi32>
    %jit3A = arith.constant 0.000000e+00 : f32
    %broadcast_in_dim3A = vector.broadcast %jit3A : f32 to vector<384x264xf32>
    %select_n3A = arith.select %lt3A_3, %get3A_1, %broadcast_in_dim3A : vector<384x264xi1>, vector<384x264xf32>
    %iota3A_4 = tpu.iota {dimensions = array<i32: 1>} : vector<256x384xi32>
    %iota3A_5 = tpu.iota {dimensions = array<i32: 0>} : vector<256x384xi32>
    %add3A = arith.constant 4 : i32
    %add3A_6 = vector.broadcast %add3A : i32 to vector<256x384xi32>
    %add3A_7 = arith.addi %iota3A_5, %add3A_6 : vector<256x384xi32>
    %le3A = arith.cmpi sle, %iota3A_4, %add3A_7 : vector<256x384xi32>
    %convert_element_type3A = arith.extui %le3A : vector<256x384xi1> to vector<256x384xi32>
    %convert_element_type3A_8 = arith.sitofp %convert_element_type3A : vector<256x384xi32> to vector<256x384xf32>
    %iota3A_9 = tpu.iota {dimensions = array<i32: 0>} : vector<264x256xi32>
    %iota3A_10 = tpu.iota {dimensions = array<i32: 1>} : vector<264x256xi32>
    %add3A_11 = arith.constant 4 : i32
    %add3A_12 = vector.broadcast %add3A_11 : i32 to vector<264x256xi32>
    %add3A_13 = arith.addi %iota3A_10, %add3A_12 : vector<264x256xi32>
    %le3A_14 = arith.cmpi sle, %iota3A_9, %add3A_13 : vector<264x256xi32>
    %convert_element_type3A_15 = arith.extui %le3A_14 : vector<264x256xi1> to vector<264x256xi32>
    %convert_element_type3A_16 = arith.sitofp %convert_element_type3A_15 : vector<264x256xi32> to vector<264x256xf32>
    %dot_general3A = arith.constant dense<0.000000e+00> : vector<384x256xf32>
    %dot_general3A_17 = tpu.matmul %select_n3A, %convert_element_type3A_16, %dot_general3A {dimension_numbers = #tpu.dot_dimension_numbers<[1], [0], [0], [1], [0, 0, 1, 1], [], []>, precision = #tpu.contract_precision<fp32>, transpose_lhs_hint = false} : vector<384x264xf32>, vector<264x256xf32>, vector<384x256xf32> -> vector<384x256xf32>
    %dot_general3A_18 = arith.constant dense<0.000000e+00> : vector<256x256xf32>
    %dot_general3A_19 = tpu.matmul %convert_element_type3A_8, %dot_general3A_17, %dot_general3A_18 {dimension_numbers = #tpu.dot_dimension_numbers<[1], [0], [0], [1], [0, 0, 1, 1], [], []>, precision = #tpu.contract_precision<fp32>, transpose_lhs_hint = false} : vector<256x384xf32>, vector<384x256xf32>, vector<256x256xf32> -> vector<256x256xf32>
    %swap3A = arith.constant 0 : index
    %swap3A_20 = arith.constant 0 : index
    %swap3A_21 = vector.load %arg1[%swap3A, %swap3A_20] : memref<256x256xf32, #tpu.memory_space<vmem>>, vector<256x256xf32>
    tpu.vector_store %arg1[%swap3A, %swap3A_20], %dot_general3A_19 {strides = array<i32>} : memref<256x256xf32, #tpu.memory_space<vmem>>, vector<256x256xf32>,
    return
  }
}

</mosaic_0001>

<sc_bundles>
// kernel: kernel.5.cloned.1.call-start
scs
__scs_entry_jumppad:
0x0: {  	(pc) =	sbr.rel $0x88, $3  }
0x1: {  	(tag) =	ssettag $0x0;
	lr =	simm.s32 $0x1  }
0x2: {  	[smem:$0x3F9E] =	sst lr;
	_ =	strace $0xD0000000  }
0x3: {  	_ = 	snop  }
0x4: {  	_ = 	snop  }
0x5: {  	_ = 	snop  }
0x6: {  	_ = 	snop  }
0x7: {  	_ = 	snop  }
__scs_overlays_trampoline_lowered:
0x8: {  	[smem:$0x3FAD] =	sst s0  }
0x9: {  	[smem:$0x3FAE] =	sst s1  }
0xa: {  	[smem:$0x3FAF] =	sst s2  }
0xb: {  	[smem:$0x3FB0] =	sst s3  }
0xc: {  	[smem:$0x3FB1] =	sst s4  }
0xd: {  	[smem:$0x3FB2] =	sst s5  }
0xe: {  	[smem:$0x3FB3] =	sst s6  }
0xf: {  	[smem:$0x3FB4] =	sst s7  }
0x10: {  	[smem:$0x3FB5] =	sst s8  }
0x11: {  	[smem:$0x3FB6] =	sst s9;
	s0 =	simm.s32 @!p0 $0x0  }
0x12: {  	s1 =	sld [smem:$0x3F9C];
	s0 =	simm.s32 @p0 $0x1  }
0x13: {  	[smem:$0x3FB7] =	sst s0;
	s0 =	simm.s32 @!p1 $0x0  }
0x14: {  	s2 =	sld [smem:$0x3F9B];
	s0 =	simm.s32 @p1 $0x1  }
0x15: {  	[smem:$0x3FB8] =	sst s0;
	s0 =	simm.s32 @!p2 $0x0  }
0x16: {  	s3 =	sld [smem:$0x3FDB];
	s0 =	simm.s32 @p2 $0x1  }
0x17: {  	s4 =	simm.s32 $0x1BF5;
	[smem:$0x3FBA] =	sst s0  }
0x18: {  	s0 =	sld [smem:$0x3F9D];
	_ =	swait.ge [sflag:s4], $0x0  }
0x19: {  	s7 =	sld [smem:$0x3F9E]  }
0x1a: {  	s8 =	sadd.s32 $0xFFFFE003, lr  }
0x1b: {  	s9 =	sadd.s32 $0xFFFFFEF7, lr;
	s5 =	simm.s32 $0xFFFFFFFF;
	p2 =	slt.u32 s8, $0xFFFFF086  }
0x1c: {  	p1 =	slt.u32 s9, $0xF7A;
	s5 =	simm.s32 @!p2 $0x0  }
0x1d: {  	s5 =	simm.s32 @p1 $0x1;
	p0 =	seq.s32 s7, s2  }
0x1e: {  	s7 =	smul.u32 @!p0 $0xF7A, s2;
	p2 =	seq.s32 @!p0 s5, $0x0  }
0x1f: {  	s9 =	smul.u32 $0xF7A, s1;
	s8 =	simm.s32 @!p0 $0x1BF5;
	p2 =	por !p2, p0  }
0x20: {  	[sflag:s8] =	ssyncset.s32 @!p0 $0xFFFFF086;
	s6 =	sadd.s32 @!p0 s3, s7;
	s7 =	simm.s32 @!p0 $0x108  }
0x21: {  	s3 =	sadd.s32 s3, s9;
	s6 =	sadd.s32 @!p0 $0x88, s6;
	s7 =	simm.s32 @p2 $0x1082  }
0x22: {  	[simem:s7], [sflag:s8] =	dma.local @!p0 [hbm:s6], $0xF7A  }
0x23: {  	s9 =	sor.u32 $0xD0000000, s2;
	s6 =	simm.s32 $0x108;
	_ =	swait.ge @!p0 [sflag:s8], $0x0  }
0x24: {  	s3 =	sadd.s32 $0x88, s3;
	s6 =	simm.s32 @!p1 $0x1082;
	[sflag:s4] =	ssyncset.s32 $0xFFFFF086  }
0x25: {  	[simem:s6], [sflag:s4] =	dma.local [hbm:s3], $0xF7A  }
0x26: {  	[smem:$0x3F9E] =	sst s1;
	(tag) =	ssettag s2;
	_ =	strace s9  }
0x27: {  	s1 =	sld [smem:$0x3FAE]  }
0x28: {  	s2 =	sld [smem:$0x3FAF]  }
0x29: {  	s4 =	sld [smem:$0x3FB1]  }
0x2a: {  	p0 =	seq.s32 s5, $0x0;
	s5 =	sld [smem:$0x3FB2]  }
0x2b: {  	s6 =	sld [smem:$0x3FB3]  }
0x2c: {  	s7 =	sld [smem:$0x3FB4]  }
0x2d: {  	s3 =	simm.s32 $0x108;
	s8 =	sld [smem:$0x3FB5]  }
0x2e: {  	s3 =	simm.s32 @!p0 $0x1082;
	s9 =	sld [smem:$0x3FB6]  }
0x2f: {  	lr =	sadd.s32 s0, s3;
	s0 =	sld [smem:$0x3FAD]  }
0x30: {  	s3 =	sld [smem:$0x3FB0]  }
0x31: {  	[smem:$0x3FB9] =	sst s10  }
0x32: {  	s10 =	sld [smem:$0x3FB7];
	_ =	sdelay $0x3  }
0x33: {  	p0 =	seq.s32 s10, $0x1;
	s10 =	sld [smem:$0x3FB9];
	_ =	sdelay $0x3  }
0x34: {  	[smem:$0x3FB9] =	sst s10  }
0x35: {  	s10 =	sld [smem:$0x3FB8];
	_ =	sdelay $0x3  }
0x36: {  	p1 =	seq.s32 s10, $0x1;
	s10 =	sld [smem:$0x3FB9];
	_ =	sdelay $0x3  }
0x37: {  	[smem:$0x3FB9] =	sst s10  }
0x38: {  	s10 =	sld [smem:$0x3FBA]  }
0x39: {  	_ = 	snop;
	(pc) =	sbr.ind lr, $3  }
0x3a: {  	_ = 	snop  }
0x3b: {  	_ = 	snop  }
0x3c: {  	p2 =	seq.s32 s10, $0x1;
	s10 =	sld [smem:$0x3FB9]  }
0x3d: {  	_ =	shalt  }
0x3e: {  	_ =	shalt  }
0x3f: {  	_ =	shalt  }
0x40: {  	_ =	shalt  }
0x41: {  	_ =	shalt  }
0x42: {  	_ =	shalt  }
0x43: {  	_ =	shalt  }
0x44: {  	_ =	shalt  }
0x45: {  	_ =	shalt  }
0x46: {  	_ =	shalt  }
0x47: {  	_ =	shalt  }
0x48: {  	_ =	shalt  }
0x49: {  	_ =	shalt  }
0x4a: {  	_ =	shalt  }
0x4b: {  	_ =	shalt  }
0x4c: {  	_ =	shalt  }
0x4d: {  	_ =	shalt  }
0x4e: {  	_ =	shalt  }
0x4f: {  	_ =	shalt  }
0x50: {  	_ =	shalt  }
0x51: {  	_ =	shalt  }
0x52: {  	_ =	shalt  }
0x53: {  	_ =	shalt  }
0x54: {  	_ =	shalt  }
0x55: {  	_ =	shalt  }
0x56: {  	_ =	shalt  }
0x57: {  	_ =	shalt  }
0x58: {  	_ =	shalt  }
0x59: {  	_ =	shalt  }
0x5a: {  	_ =	shalt  }
0x5b: {  	_ =	shalt  }
0x5c: {  	_ =	shalt  }
0x5d: {  	_ =	shalt  }
0x5e: {  	_ =	shalt  }
0x5f: {  	_ =	shalt  }
0x60: {  	_ =	shalt  }
0x61: {  	_ =	shalt  }
0x62: {  	_ =	shalt  }
0x63: {  	_ =	shalt  }
0x64: {  	_ =	shalt  }
0x65: {  	_ =	shalt  }
0x66: {  	_ =	shalt  }
0x67: {  	_ =	shalt  }
0x68: {  	_ =	shalt  }
0x69: {  	_ =	shalt  }
0x6a: {  	_ =	shalt  }
0x6b: {  	_ =	shalt  }
0x6c: {  	_ =	shalt  }
0x6d: {  	_ =	shalt  }
0x6e: {  	_ =	shalt  }
0x6f: {  	_ =	shalt  }
0x70: {  	_ =	shalt  }
0x71: {  	_ =	shalt  }
0x72: {  	_ =	shalt  }
0x73: {  	_ =	shalt  }
0x74: {  	_ =	shalt  }
0x75: {  	_ =	shalt  }
0x76: {  	_ =	shalt  }
0x77: {  	_ =	shalt  }
0x78: {  	_ =	shalt  }
0x79: {  	_ =	shalt  }
0x7a: {  	_ =	shalt  }
0x7b: {  	_ =	shalt  }
0x7c: {  	_ =	shalt  }
0x7d: {  	_ =	shalt  }
0x7e: {  	_ =	shalt  }
0x7f: {  	_ =	shalt  }
0x80: {  	_ =	shalt  }
0x81: {  	_ =	shalt  }
0x82: {  	_ =	shalt  }
0x83: {  	_ =	shalt  }
0x84: {  	_ =	shalt  }
0x85: {  	_ =	shalt  }
0x86: {  	_ =	shalt  }
0x87: {  	_ =	shalt  }
.Lfunc_end0:
.L_simem_size_0:
called_computation_lowered:
.L_overlay_start_0:
0x88: {  	s2 =	sld [smem:$0x3FD9]  }
0x89: {  	s3 =	sld [smem:$0x3FFE];
	_ =	sdelay $0x1  }
0x8a: {  	s1 =	srdreg.scid  }
0x8b: {  	s0 =	sand.u32 $0x1, s1  }
0x8c: {  	s17 =	sshll.u32 s0, $0xA;
	s2 =	sadd.s32 s3, s2  }
0x8d: {  	s2 =	sadd.s32 s2, s17  }
0x8e: {  	[smem:$0x3FC5] =	sst s2  }
0x8f: {  	_ = 	snop  }
0x90: {  	s2 =	sld [smem:$0x3FC7];
	(tm) =	ssettm $0x1  }
0x91: {  	s18 =	sld [smem:$0x3FFB];
	_ =	sdelay $0x3  }
0x92: {  	_ =	strace s18  }
0x93: {  	s3 =	sld [smem:$0x3FFC];
	_ =	sdelay $0x3  }
0x94: {  	_ =	strace s3  }
0x95: {  	s3 =	sld [smem:$0x3FFD];
	_ =	sdelay $0x3  }
0x96: {  	_ =	strace s3  }
0x97: {  	_ =	strace $0x8FFFFFFF  }
0x98: {  	s19 =	sld [smem:$0x3FDB];
	_ =	sdelay $0x1  }
0x99: {  	s4 =	simm.s32 $_scs_section_size  }
0x9a: {  	s5 =	simm.s32 $_size__tile_overlayer_lowered;
	s6 =	simm.s32 $_tile_overlayer_lowered  }
0x9b: {  	s22 =	simm.s32 $0x1BFF;
	s21 =	sshll.u32 s6, $0x1;
	s3 =	sadd.s32 s4, s19  }
0x9c: {  	s7 =	simm.s32 $0x0;
	s20 =	sshll.u32 s5, $0x1;
	s5 =	sadd.s32 s21, s3  }
0x9d: {  	[timem:s7], [sflag:s22] =	dma.local [hbm:s5], s20  }
0x9e: {  	_ =	swait.ge [sflag:s22], s20  }
0x9f: {  	s4 =	ssub.s32 $0x0, s20;
	[sflag:s22] =	ssyncset.done $0x0  }
0xa0: {  	[sflag:s22] =	ssyncadd.s32 s4;
	_ =	sdelay $0x1  }
0xa1: {  	s23 =	simm.s32 $0x1B8B  }
0xa2: {  	_ =	swait.ge [sflag:s23], $0x1  }
0xa3: {  	[sflag:s23] =	ssyncset.done $0x0  }
0xa4: {  	s25 =	simm.s32 $0x1B8E;
	s24 =	sld [smem:$0x3FFE];
	[sflag:s23] =	ssyncadd.s32 $0xFFFFFFFF  }
0xa5: {  	s26 =	simm.s32 $execute0_lowered;
	[smem:$0x3FD2] =	sst s25  }
0xa6: {  	s5 =	sshll.u32 s26, $0x1;
	_ =	strace $0x80000046;
	[dreg:$0x1] =	wrdreg $0xFFFFFFFF  }
0xa7: {  	s28 =	simm.s32 $_size_execute0_lowered;
	s3 =	sadd.s32 s3, s5;
	[dreg:$0x0] =	wrdreg $0x0  }
0xa8: {  	s5 =	sshll.u32 s28, $0x1;
	[dreg:$0x2] =	wrdreg s3  }
0xa9: {  	[dreg:$0x3] =	wrdreg s5  }
0xaa: {  	[dreg:$0x4] =	wrdreg $0xC0  }
0xab: {  	_ =	task [dreg:s7], $0x5FFFF  }
0xac: {  	[dreg:$0x1] =	wrdreg $0xFFFFFFFF  }
0xad: {  	[dreg:$0x0] =	wrdreg $0x60  }
0xae: {  	[dreg:$0x2] =	wrdreg s24  }
0xaf: {  	[dreg:$0x3] =	wrdreg s2  }
0xb0: {  	[dreg:$0x4] =	wrdreg $0x9  }
0xb1: {  	_ =	task.clear_ibuf [dreg:s7], $0x5FFFF;
	_ =	strace $0x90000046  }
0xb2: {  	s29 =	simm.s32 $0x9;
	_ =	strace $0x80000048  }
0xb3: {  	_ =	swait.ge [sflag:s29], $0x1  }
0xb4: {  	[sflag:s29] =	ssyncadd.s32 $0xFFFFFFFF  }
0xb5: {  	_ =	strace $0x90000048  }
0xb6: {  	_ =	sfence  }
0xb7: {  	s30 =	sld [smem:$0x0];
	_ =	sdelay $0x2  }
0xb8: {  	s31 =	sshll.u32 s1, $0xD;
	s1 =	sshrl.u32 s1, $0x2  }
0xb9: {  	s3 =	sand.u32 $0x4000, s31;
	s1 =	sadd.s32 s1, s30  }
0xba: {  	s0 =	sor.u32 s3, s0;
	s1 =	sshll.u32 s1, $0x11  }
0xbb: {  	s0 =	sor.u32 s1, s0  }
0xbc: {  	s0 =	sadd.s32 $0x8F2B, s0  }
0xbd: {  	[sflag:s0] =	ssyncadd.remote.s32 $0x1  }
0xbe: {  	_ =	sfence.sel $0xFFFF  }
0xbf: {  	[dreg:$0x0] =	wrdreg $0xFFFFFFFF;
	(pc) =	sbr.abs _section_cstart, $3  }
0xc0: {  	[dreg:$0x1] =	wrdreg $0xFFFFFFFF  }
0xc1: {  	_ =	task.clear_ibuf [dreg:s7], $0x2FFFF;
	_ =	strace $0x9FFFFFFF  }
0xc2: {  	(tm) =	ssettm $0x7FFFFFFF  }
0xc3: {  	_ =	shalt  }
tec
execute0_lowered:
.L_overlay_start_1:
0x0: {  	(tag) =	ssettag $0x1  }
0x1: {  	s4 =	rddreg [dreg:$0x0];
	s1 =	srdreg.scid  }
0x2: {  	s0 =	stileid.u32;
	s8 =	rddreg [dreg:$0x1];
	s12 =	simm.s32 $0x1880  }
0x3: {  	s13 =	simm.s32 $0x24C0;
	s14 =	simm.s32 $0x3100;
	s15 =	simm.s32 $0x1  }
0x4: {  	s16 =	simm.s32 $0x1C980;
	s17 =	simm.s32 $0x3D80;
	s18 =	simm.s32 $0x80  }
0x5: {  	s19 =	simm.s32 $0x400;
	s20 =	simm.s32 $0x2;
	s21 =	simm.s32 $0x0  }
0x6: {  	s3 =	sand.u32 $0x1, s1;
	s2 =	sshll.u32 s0, $0x1;
	s1 =	rddreg [dreg:$0x2]  }
0x7: {  	s6 =	sshrl.u32 s0, $0x2;
	s5 =	sor.u32 s3, s2;
	s2 =	simm.s32 $0x0  }
0x8: {  	v20 =	vlaneseq.u32;
	v1 =	vimm.f32 $0.0e+00;
	s6 =	smul.u32 $0xC6000, s6;
	s3 =	ssub.s32 $0x2, s3;
	s7 =	sshll.u32 s5, $0x7  }
0x9: {  	v0 =	vmul.u32 $0x11, v20;
	v17 =	vshrl.u32 v20, $0x2;
	v18 =	vand.u32 $0x3, v20;
	[smem:$0x7FF] =	sst s2;
	s9 =	smul.u32 $0x188, s5;
	p0 =	seq.s32 s5, $0x1F  }
0xa: {  	v20 =	vor.u32 $0xC, v20;
	v18 =	vor.u32 $0x4, v18;
	v19 =	vor.u32 $0x8, v17;
	s31 =	sshrl.u32 s3, $0x1;
	s7 =	sand.u32 $0x380, s7;
	_ =	strace $0x80000047  }
0xb: {  	v2 =	vadd.s32 $0x4, v0;
	v3 =	vadd.s32 $0x8, v0;
	v4 =	vadd.s32 $0xC, v0;
	s11 =	ssub.s32 s3, s31;
	s3 =	simm.s32 $0x160;
	s6 =	sor.u32 s6, s7  }
0xc: {  	v5 =	vadd.s32 $0x1, v0;
	v6 =	vadd.s32 $0x5, v0;
	v7 =	vadd.s32 $0x9, v0;
	s9 =	simm.s32 @p0 $0x2F4C;
	s3 =	simm.s32 @!p0 $0x0;
	s6 =	sshrl.u32 s6, $0x3  }
0xd: {  	v8 =	vadd.s32 $0xD, v0;
	v9 =	vadd.s32 $0x2, v0;
	v10 =	vadd.s32 $0x6, v0;
	s8 =	sadd.s32 s8, s9;
	s10 =	sadd.s32 s6, s4;
	s4 =	sadd.s32 s4, s9  }
0xe: {  	v11 =	vadd.s32 $0xA, v0;
	v12 =	vadd.s32 $0xE, v0;
	v13 =	vadd.s32 $0x3, v0;
	s5 =	sadd.s32 $0x6400, s4;
	s6 =	sadd.s32 $0x9600, s4;
	s7 =	sadd.s32 $0x3200, s4  }
0xf: {  	v14 =	vadd.s32 $0x7, v0;
	v15 =	vadd.s32 $0xB, v0;
	v16 =	vadd.s32 $0xF, v0;
	s9 =	sadd.s32 $0xC800, s10;
	s10 =	smax.u32 s11, $0x1;
	s11 =	simm.s32 $0xC40  }
.LBB2_1:
0x10: {  	[tilespmem:s2], [sflag:$0x1] =	stream.linear.gather [hbm4b:s5+s2], $0xC40, $0x38;
	[tilespmem:$0x1CB00] =	vst v63  }
0x11: {  	_ = 	snop  }
0x12: {  	[tilespmem:s11], [sflag:$0x1] =	stream.linear.gather [hbm4b:s6+s2], $0xC40, $0x38;
	[tilespmem:$0x1CB00] =	vst v63  }
0x13: {  	_ = 	snop  }
0x14: {  	[tilespmem:s12], [sflag:$0x1] =	stream.linear.gather [hbm4b:s7+s2], $0xC40, $0x38;
	[tilespmem:$0x1CB00] =	vst v63  }
0x15: {  	_ = 	snop  }
0x16: {  	[tilespmem:s13], [sflag:$0x1] =	stream.linear.gather [hbm4b:s4+s2], $0xC40, $0x38;
	[tilespmem:$0x1CB00] =	vst v63  }
0x17: {  	s22 =	simm.s32 $0x0;
	s23 =	simm.s32 $0x400  }
0x18: {  	[tilespmem:s14], [sflag:$0x1] =	stream.linear.gather [hbm4b:s8+s2], $0xC40, $0x38;
	[tilespmem:$0x1CB00] =	vst v63  }
.LBB2_2:
0x19: {  	p0 =	sne.s32 s23, $0x43C00;
	[tilespmem:s22+$0x3E70] =	vst v1  }
0x1a: {  	[tilespmem:s22+$0x3D80] =	vst v1  }
0x1b: {  	[tilespmem:s22+$0x3D90] =	vst v1  }
0x1c: {  	[tilespmem:s22+$0x3DA0] =	vst v1  }
0x1d: {  	[tilespmem:s22+$0x3DB0] =	vst v1  }
0x1e: {  	[tilespmem:s22+$0x3DC0] =	vst v1  }
0x1f: {  	[tilespmem:s22+$0x3DD0] =	vst v1  }
0x20: {  	[tilespmem:s22+$0x3DE0] =	vst v1  }
0x21: {  	[tilespmem:s22+$0x3DF0] =	vst v1  }
0x22: {  	[tilespmem:s22+$0x3E00] =	vst v1  }
0x23: {  	[tilespmem:s22+$0x3E10] =	vst v1  }
.Ltmp0:
0x24: {  	[tilespmem:s22+$0x3E20] =	vst v1;
	(pc) =	sbr.rel @p0 .LBB2_2-.Ltmp0, $4  }
0x25: {  	[tilespmem:s22+$0x3E30] =	vst v1  }
0x26: {  	[tilespmem:s22+$0x3E40] =	vst v1  }
0x27: {  	[tilespmem:s22+$0x3E50] =	vst v1  }
0x28: {  	[tilespmem:s22+$0x3E60] =	vst v1;
	s22 =	sshra.s32 s23, $0x2;
	s23 =	sadd.s32 $0x400, s23  }
0x29: {  	[tilespmem:s22+$0x3E70] =	vst v1  }
0x2a: {  	[tilespmem:s22+$0x3D80] =	vst v1  }
0x2b: {  	[tilespmem:s22+$0x3D90] =	vst v1  }
0x2c: {  	[tilespmem:s22+$0x3DA0] =	vst v1  }
0x2d: {  	[tilespmem:s22+$0x3DB0] =	vst v1  }
0x2e: {  	[tilespmem:s22+$0x3DC0] =	vst v1  }
0x2f: {  	[tilespmem:s22+$0x3DD0] =	vst v1  }
0x30: {  	[tilespmem:s22+$0x3DE0] =	vst v1  }
0x31: {  	[tilespmem:s22+$0x3DF0] =	vst v1  }
0x32: {  	[tilespmem:s22+$0x3E00] =	vst v1  }
0x33: {  	[tilespmem:s22+$0x3E10] =	vst v1  }
0x34: {  	[tilespmem:s22+$0x3E20] =	vst v1  }
0x35: {  	[tilespmem:s22+$0x3E30] =	vst v1  }
0x36: {  	[tilespmem:s22+$0x3E40] =	vst v1  }
0x37: {  	[tilespmem:s22+$0x3E50] =	vst v1  }
0x38: {  	[tilespmem:s22+$0x3E60] =	vst v1  }
0x39: {  	[tilespmem:$0x14D80] =	vst v1  }
0x3a: {  	[tilespmem:$0x14D90] =	vst v1  }
0x3b: {  	[tilespmem:$0x14DA0] =	vst v1  }
0x3c: {  	[tilespmem:$0x14DB0] =	vst v1  }
0x3d: {  	_ =	swait.ge [sflag:s15], $0xC40  }
0x3e: {  	[sflag:s15] =	ssyncset.done $0x0  }
0x3f: {  	[sflag:s15] =	ssyncadd.s32 $0xFFFFF3C0  }
0x40: {  	_ =	swait.ge [sflag:s15], $0xC40  }
0x41: {  	[sflag:s15] =	ssyncset.done $0x0  }
0x42: {  	[sflag:s15] =	ssyncadd.s32 $0xFFFFF3C0  }
0x43: {  	_ =	swait.ge [sflag:s15], $0xC40  }
0x44: {  	[sflag:s15] =	ssyncset.done $0x0  }
0x45: {  	[sflag:s15] =	ssyncadd.s32 $0xFFFFF3C0  }
0x46: {  	_ =	swait.ge [sflag:s15], $0xC40  }
0x47: {  	[sflag:s15] =	ssyncset.done $0x0  }
0x48: {  	[sflag:s15] =	ssyncadd.s32 $0xFFFFF3C0  }
0x49: {  	_ =	swait.ge [sflag:s15], $0xC40  }
0x4a: {  	[sflag:s15] =	ssyncset.done $0x0  }
0x4b: {  	s22 =	smov.u32 s3;
	s23 =	smov.u32 s3;
	[sflag:s15] =	ssyncadd.s32 $0xFFFFF3C0  }
.LBB2_4:
0x4c: {  	s24 =	sand.u32 $0xFF0, s23;
	v22 =	vld [tilespmem:s22+$0x0]  }
0x4d: {  	v21 =	vld [tilespmem:s24+$0x1880]  }
0x4e: {  	v23 =	vld [tilespmem:s22+$0x24C0];
	_ =	sdelay $0x3  }
0x4f: {  	v25 =	vld [tilespmem:s22+$0xC40];
	v21 =	vmax.f32 v21, $5.524271630e-03  }
0x50: {  	v22 =	vmul.f32 $2.560000000e+02, v22;
	v23 =	vmax.f32 v23, $5.524271630e-03;
	v24 =	vmul.f32 $1.280000000e+02, v21  }
0x51: {  	v21 =	vmul.f32 v23, v21  }
0x52: {  	v22 =	vsub.f32 v22, v24  }
0x53: {  	(erf) = vrcp.f32 v21  }
0x54: {  	v26 =	vld [tilespmem:s24+$0x3100];
	v25 =	vmul.f32 $2.560000000e+02, v25;
	v23 =	vmul.f32 $1.280000000e+02, v23;
	v21 =	vadd.f32 $8.000000000e+00, v22;
	_ =	sdelay $0x1  }
0x55: {  	v44 =	vsub.f32 v25, v23;
	v22 =	vadd.f32 v21, v24  }
0x56: {  	v45 =	vtrunc.f32 v21  }
0x57: {  	v25 =	vcvt.f32.s32 v45;
	v22 =	vadd.f32 v22, v24;
	v24 =	vadd.f32 $8.000000000e+00, v44  }
0x58: {  	v26 =	vmul.f32 $9.999999770e-03, v26  }
0x59: {  	v28 =	vcvt.s32.f32 v25;
	v27 =	vtrunc.f32 v22;
	v29 =	vadd.f32 v24, v23  }
0x5a: {  	v50 =	vmul.u32 $0x108, v25;
	v32 =	vtrunc.f32 v24;
	v27 =	vcvt.f32.s32 v27  }
0x5b: {  	v30 =	vpop (erf);
	v46 =	vcvt.f32.s32 v32;
	v21 =	vsub.f32 v21, v28;
	v23 =	vadd.f32 v29, v23  }
0x5c: {  	v51 =	vadd.s32 $0xFFFFFBE0, v50;
	v26 =	vmul.f32 v30, v26;
	v31 =	vcvt.s32.f32 v27  }
0x5d: {  	v32 =	vadd.s32 $0xFFFFFCE8, v50;
	v48 =	vcvt.s32.f32 v46;
	v49 =	vtrunc.f32 v23  }
0x5e: {  	v34 =	vsub.f32 $1.000000000e+00, v21;
	v22 =	vsub.f32 v22, v31;
	v31 =	vcvt.f32.s32 v49  }
0x5f: {  	v47 =	vadd.s32 $0xFFFFFFFC, v27;
	v35 =	vadd.f32 $-1.000000000e+00, v21;
	v24 =	vsub.f32 v24, v48  }
0x60: {  	[tilespmem:v0+s16+$0x0] =	vst.idx.msk $0xffff, v51;
	v37 =	vadd.s32 $0xFFFFFFFC, v46;
	v52 =	vmul.f32 v34, v26;
	v36 =	vcvt.s32.f32 v31  }
0x61: {  	v33 =	vsub.s32 v27, v25;
	[tilespmem:v2+s16+$0x0] =	vst.idx.msk $0xffff, v37;
	v53 =	vadd.f32 v22, v35;
	v54 =	vsub.f32 $1.000000000e+00, v24  }
0x62: {  	vm0 =	veq.s32 v33, $0x1;
	v55 =	vadd.f32 $-1.000000000e+00, v24;
	[tilespmem:v3+s16+$0x0] =	vst.idx.msk $0xffff, v52;
	v23 =	vsub.f32 v23, v36  }
0x63: {  	v25 =	vadd.s32 $0xFFFFFFFB, v25;
	v56 =	vsub.s32 v31, v46;
	v21 =	vsel vm0, v53, v21;
	[tilespmem:v4+s16+$0x0] =	vst.idx.msk $0xffff, v54  }
0x64: {  	v57 =	vadd.s32 $0xFFFFFFFD, v46;
	[tilespmem:v5+s16+$0x0] =	vst.idx.msk $0xffff, v32;
	v21 =	vmul.f32 v21, v26;
	v58 =	vadd.f32 v23, v55  }
0x65: {  	v25 =	vsel vm0, v25, v47;
	v59 =	vadd.f32 $-1.000000000e+00, v22;
	vm1 =	veq.s32 v56, $0x1;
	[tilespmem:v6+s16+$0x0] =	vst.idx.msk $0xffff, v57  }
0x66: {  	[tilespmem:v7+s16+$0x0] =	vst.idx.msk $0xffff, v21;
	v21 =	vmul.u32 $0x108, v25;
	v24 =	vsel vm1, v58, v24  }
0x67: {  	v29 =	vadd.s32 $0xFFFFFFFB, v46;
	v61 =	vadd.s32 $0xFFFFFFFC, v31;
	v60 =	vsel vm0, $0x0, v59;
	[tilespmem:v8+s16+$0x0] =	vst.idx.msk $0xffff, v24  }
0x68: {  	v62 =	vsel vm1, v29, v61;
	v63 =	vadd.f32 $-1.000000000e+00, v23;
	[tilespmem:v9+s16+$0x0] =	vst.idx.msk $0xffff, v21;
	v21 =	vmul.f32 v60, v26  }
0x69: {  	v29 =	vmul.u32 $0x108, v27;
	[tilespmem:v10+s16+$0x0] =	vst.idx.msk $0xffff, v62  }
0x6a: {  	v22 =	vsub.f32 $0.0e+00, v22;
	v30 =	vsel vm1, $0x0, v63;
	[tilespmem:v11+s16+$0x0] =	vst.idx.msk $0xffff, v21  }
0x6b: {  	v21 =	vadd.s32 $0xFFFFFCE8, v29;
	[tilespmem:v12+s16+$0x0] =	vst.idx.msk $0xffff, v30  }
0x6c: {  	v32 =	vadd.s32 $0xFFFFFFFD, v31;
	[tilespmem:v13+s16+$0x0] =	vst.idx.msk $0xffff, v21;
	v21 =	vmul.f32 v22, v26  }
0x6d: {  	v22 =	vsub.f32 $0.0e+00, v23;
	[tilespmem:v14+s16+$0x0] =	vst.idx.msk $0xffff, v32  }
0x6e: {  	[tilespmem:v15+s16+$0x0] =	vst.idx.msk $0xffff, v21  }
0x6f: {  	[tilespmem:v16+s16+$0x0] =	vst.idx.msk $0xffff, v22  }
0x70: {  	v21 =	vld [tilespmem:$0x1C980];
	_ =	sdelay $0x1  }
0x71: {  	v22 =	vld [tilespmem:$0x1C991];
	_ =	sdelay $0x1  }
0x72: {  	v25 =	vld [tilespmem:$0x1C9A2]  }
0x73: {  	v23 =	vperm.xlane v21, v17;
	v33 =	vperm.xlane v21, v18  }
0x74: {  	v37 =	vld [tilespmem:$0x1C9B3];
	v34 =	vperm.xlane v21, v19;
	v21 =	vperm.xlane v21, v20  }
0x75: {  	v40 =	vld [tilespmem:$0x1C9C4];
	v35 =	vperm.xlane v22, v19;
	v36 =	vperm.xlane v22, v20  }
0x76: {  	v38 =	vperm.xlane v22, v17;
	v22 =	vperm.xlane v22, v18  }
0x77: {  	v49 =	vld [tilespmem:$0x1C9E6];
	v41 =	vperm.xlane v25, v17;
	v42 =	vperm.xlane v25, v18  }
0x78: {  	v43 =	vperm.xlane v25, v19;
	v25 =	vperm.xlane v25, v20  }
0x79: {  	v53 =	vld [tilespmem:$0x1C9F7];
	v44 =	vperm.xlane v37, v17;
	v45 =	vperm.xlane v37, v18  }
0x7a: {  	v46 =	vperm.xlane v40, v17;
	v47 =	vperm.xlane v40, v18;
	v23 =	vadd.s32 v23, v33  }
0x7b: {  	v48 =	vperm.xlane v40, v19;
	v27 =	vperm.xlane v40, v20  }
0x7c: {  	v57 =	vld [tilespmem:$0x1CA08];
	v54 =	vperm.xlane v49, v18;
	v55 =	vperm.xlane v49, v19  }
0x7d: {  	v62 =	vld [tilespmem:$0x1CA19];
	v56 =	vperm.xlane v49, v20;
	v21 =	vmul.f32 v21, v34  }
0x7e: {  	v58 =	vperm.xlane v53, v17;
	v59 =	vperm.xlane v53, v18;
	v22 =	vadd.s32 v38, v22;
	v33 =	vld [tilespmem:$0x1C9D5]  }
0x7f: {  	[tilespmem:v23+s17+$0x0] =	vst.idx.add.f32.msk $0xffff, v21;
	v21 =	vperm.xlane v37, v19;
	v23 =	vperm.xlane v37, v20  }
0x80: {  	v60 =	vperm.xlane v53, v19;
	v61 =	vperm.xlane v53, v20  }
0x81: {  	v63 =	vperm.xlane v57, v17;
	v21 =	vmul.f32 v23, v21;
	v23 =	vadd.s32 v44, v45  }
0x82: {  	v39 =	vmul.f32 v36, v35;
	v25 =	vmul.f32 v25, v43  }
0x83: {  	v28 =	vadd.s32 v41, v42;
	v24 =	vmul.f32 v27, v48;
	v34 =	vld [tilespmem:$0x1CA2A];
	v35 =	vperm.xlane v62, v19  }
0x84: {  	[tilespmem:v22+s17+$0x0] =	vst.idx.add.f32.msk $0xffff, v39;
	v22 =	vperm.xlane v33, v17;
	v50 =	vperm.xlane v33, v18  }
0x85: {  	v29 =	vadd.s32 v46, v47;
	v36 =	vperm.xlane v62, v20;
	v38 =	vperm.xlane v62, v17;
	v42 =	vld [tilespmem:$0x1CA4C]  }
0x86: {  	v22 =	vadd.s32 v22, v50;
	[tilespmem:v23+s17+$0x0] =	vst.idx.add.f32.msk $0xffff, v21;
	v23 =	vperm.xlane v49, v17  }
0x87: {  	v46 =	vld [tilespmem:$0x1CA5D];
	v51 =	vperm.xlane v33, v19;
	v52 =	vperm.xlane v33, v20  }
0x88: {  	[tilespmem:v28+s17+$0x0] =	vst.idx.add.f32.msk $0xffff, v25;
	v33 =	vperm.xlane v57, v18;
	v23 =	vadd.s32 v23, v54  }
0x89: {  	v37 =	vld [tilespmem:$0x1CA3B];
	v39 =	vmul.f32 v36, v35;
	v21 =	vmul.f32 v52, v51  }
0x8a: {  	[tilespmem:v29+s17+$0x0] =	vst.idx.add.f32.msk $0xffff, v24;
	v40 =	vperm.xlane v34, v17;
	v41 =	vperm.xlane v34, v18  }
0x8b: {  	v43 =	vperm.xlane v34, v19;
	[tilespmem:v22+s17+$0x0] =	vst.idx.add.f32.msk $0xffff, v21;
	v21 =	vmul.f32 v56, v55  }
0x8c: {  	v24 =	vadd.s32 v58, v59;
	v28 =	vperm.xlane v34, v20;
	v53 =	vperm.xlane v46, v18  }
0x8d: {  	[tilespmem:v23+s17+$0x0] =	vst.idx.add.f32.msk $0xffff, v21;
	v21 =	vperm.xlane v57, v19;
	v23 =	vperm.xlane v57, v20  }
0x8e: {  	v44 =	vperm.xlane v37, v19;
	v45 =	vperm.xlane v37, v20  }
0x8f: {  	v48 =	vld [tilespmem:$0x1CA6E];
	v22 =	vmul.f32 v61, v60;
	v21 =	vmul.f32 v23, v21;
	v23 =	vadd.s32 v63, v33  }
0x90: {  	v26 =	vadd.s32 v40, v41;
	v50 =	vperm.xlane v42, v18;
	v47 =	vperm.xlane v37, v18;
	v51 =	vld [tilespmem:$0x1CA7F]  }
0x91: {  	v27 =	vmul.f32 v45, v44;
	[tilespmem:v24+s17+$0x0] =	vst.idx.add.f32.msk $0xffff, v22;
	v22 =	vperm.xlane v62, v18  }
0x92: {  	v49 =	vperm.xlane v42, v17;
	v52 =	vperm.xlane v42, v20  }
0x93: {  	v54 =	vperm.xlane v46, v19;
	v55 =	vperm.xlane v46, v20;
	v22 =	vadd.s32 v38, v22  }
0x94: {  	[tilespmem:v23+s17+$0x0] =	vst.idx.add.f32.msk $0xffff, v21;
	v21 =	vmul.f32 v28, v43;
	v23 =	vperm.xlane v37, v17  }
0x95: {  	v56 =	vperm.xlane v48, v17;
	v58 =	vperm.xlane v51, v17  }
0x96: {  	[tilespmem:v26+s17+$0x0] =	vst.idx.add.f32.msk $0xffff, v21;
	v21 =	vperm.xlane v46, v17;
	v23 =	vadd.s32 v23, v47  }
0x97: {  	v30 =	vadd.s32 v49, v50;
	v59 =	vperm.xlane v51, v18;
	v57 =	vperm.xlane v48, v18  }
0x98: {  	[tilespmem:v22+s17+$0x0] =	vst.idx.add.f32.msk $0xffff, v39;
	v22 =	vperm.xlane v42, v19;
	v21 =	vadd.s32 v21, v53  }
0x99: {  	v60 =	vmul.f32 v55, v54;
	v62 =	vperm.xlane v48, v19;
	v61 =	vadd.s32 v56, v57  }
0x9a: {  	p0 =	sne.s32 s23, $0xC30;
	v22 =	vmul.f32 v52, v22;
	v28 =	vperm.xlane v48, v20;
	v26 =	vadd.s32 v58, v59  }
.Ltmp1:
0x9b: {  	v63 =	vperm.xlane v51, v20;
	[tilespmem:v23+s17+$0x0] =	vst.idx.add.f32.msk $0xffff, v27;
	v23 =	vperm.xlane v51, v19;
	(pc) =	sbr.rel @p0 .LBB2_4-.Ltmp1, $4  }
0x9c: {  	[tilespmem:v30+s17+$0x0] =	vst.idx.add.f32.msk $0xffff, v22;
	v22 =	vmul.f32 v28, v62  }
0x9d: {  	[tilespmem:v21+s17+$0x0] =	vst.idx.add.f32.msk $0xffff, v60;
	v21 =	vmul.f32 v63, v23  }
0x9e: {  	[tilespmem:v61+s17+$0x0] =	vst.idx.add.f32.msk $0xffff, v22  }
0x9f: {  	s22 =	sadd.s32 $0x10, s22;
	s23 =	sadd.s32 $0x10, s23;
	[tilespmem:v26+s17+$0x0] =	vst.idx.add.f32.msk $0xffff, v21  }
0xa0: {  	s21 =	sadd.s32 $0x1, s21  }
0xa1: {  	p0 =	sne.s32 s21, s10  }
.Ltmp2:
0xa2: {  	_ = 	snop;
	(pc) =	sbr.rel @p0 .LBB2_1-.Ltmp2, $4  }
0xa3: {  	[hbm4b:s9+s18] =	stream.strided.scatter [tilespmem:s17], [sflag:$0x2], $0x18C00, s19, s18, $0x38;
	[tilespmem:$0x1CB00] =	vst v63  }
0xa4: {  	_ =	swait.ge [sflag:s20], $0x18C00  }
0xa5: {  	[sflag:s20] =	ssyncset.done $0x0  }
0xa6: {  	[sflag:s20] =	ssyncadd.s32 $0xFFFE7400  }
0xa7: {  	_ =	sfence.sel $0x180000  }
0xa8: {  	[bflag:$0x0] =	sbarrier.arrive $0xFFFF  }
0xa9: {  	p0 =	sne.s32 s0, $0x0;
	_ =	strace $0x90000047  }
0xaa: {  	s0 =	sadd.s32 @!p0 $0x100000, s1;
	[bflag:$0x2] =	sbarrier.arrive $0xFFFF  }
0xab: {  	[sflag:s0] =	ssyncadd.tile.s32 @!p0 $0x1;
	_ =	shalt  }
.Lfunc_end2:
_tile_overlayer_lowered:
.L_overlay_start_2:
0xac: {  	(tag) =	ssettag $0x2  }
0xad: {  	s0 =	rddreg [dreg:$0x0];
	s2 =	stileid.u32  }
0xae: {  	s1 =	rddreg [dreg:$0x1];
	p0 =	sne.s32 s2, $0x0  }
0xaf: {  	s3 =	rddreg [dreg:$0x2];
	[bflag:$0x3] =	sbarrier.arrive $0xFFFF;
	s2 =	simm.s32 @!p0 $0x1C02  }
0xb0: {  	[timem:s3], [sflag:s2] =	dma.local @!p0 [hbm:s0], s1  }
0xb1: {  	s0 =	simm.s32 @!p0 $0x2  }
0xb2: {  	_ =	swait.ge @!p0 [sflag:s0], s1  }
0xb3: {  	s1 =	ssub.s32 @!p0 $0x0, s1;
	[sflag:s0] =	ssyncset.done @!p0 $0x0  }
0xb4: {  	[sflag:s0] =	ssyncadd.s32 @!p0 s1  }
0xb5: {  	[bflag:$0x3] =	sbarrier.arrive $0xFFFF  }
0xb6: {  	_ =	shalt  }

</sc_bundles>
